<compile_context>
chip_gen: v7x
topology: tpu7x:2x2x1
jax: 0.10.2.dev20260603
libtpu: 0.0.44.dev20260713+nightly
codegen_flags: <defaults>
</compile_context>

<pallas_src>
import functools

import jax
import jax.numpy as jnp
from jax import lax
from jax.experimental import pallas as pl
from jax.experimental.pallas import tpu as pltpu
from jax.experimental.pallas import tpu_sc as plsc

_NUM_CORES = 2
_NUM_SUBCORES = 16
_LANES = 16
_NW = _NUM_CORES * _NUM_SUBCORES

_B = 1024
_F = 128
_E = 256
_CHUNKS = _E // _LANES
_GROUPS = _F // _LANES
_ROWS_PER_W = _B // _NW

_K = 1
_EMA_D = 0.95 ** (1.0 / 30000)


def _permute(x, idx):
    dn = lax.GatherDimensionNumbers(
        offset_dims=(), collapsed_slice_dims=(0,), start_index_map=(0,))
    return lax.gather(x, idx[:, None], dn, slice_sizes=(1,),
                      mode=lax.GatherScatterMode.PROMISE_IN_BOUNDS)


def _row_winner(buf, stage, lane, perms, masks, zero_idx):

    def group_body(g, carry):
        bv, bi = carry

        def feat_body(f_in, c):
            f = g * _LANES + f_in
            parts = [buf[2 * f + (e // 8), pl.ds((e % 8) * _LANES, _LANES)]
                     for e in range(_CHUNKS)]
            while len(parts) > 1:
                parts = [parts[2 * j] + parts[2 * j + 1]
                         for j in range(len(parts) // 2)]
            stage[f_in] = parts[0]
            return c

        lax.fori_loop(0, _LANES, feat_body, 0)
        vecs = [stage[j] for j in range(_LANES)]
        k = _LANES // 2
        s = 0
        while k >= 1:
            folded = [v + _permute(v, perms[s]) for v in vecs]
            vecs = [jnp.where(masks[s], folded[j + k], folded[j])
                    for j in range(k)]
            k //= 2
            s += 1
        sums = vecs[0]
        fidx = lane + g * _LANES
        better = sums > bv
        return jnp.where(better, sums, bv), jnp.where(better, fidx, bi)

    neg = jnp.full((_LANES,), -jnp.inf, jnp.float32)
    bv, bi = lax.fori_loop(0, _GROUPS, group_body, (neg, lane))
    kk, _ = plsc.sort_key_val(bv, bi, descending=True)
    mx = _permute(kk, zero_idx)
    cand = jnp.where(bv == mx, bi, jnp.full((_LANES,), _F, jnp.int32))
    cmin, _ = plsc.sort_key_val(cand, cand)
    return cmin


def _sc_body(r_hbm, out_hbm, buf0, buf1, stage, hist, sem0, sem1):
    wid = lax.axis_index("c") * _NUM_SUBCORES + lax.axis_index("s")
    base = wid * _ROWS_PER_W
    last = base + _ROWS_PER_W - 1

    zero = jnp.zeros((_LANES,), jnp.float32)
    for g in range(_GROUPS):
        hist[pl.ds(g * _LANES, _LANES)] = zero

    lane = lax.iota(jnp.int32, _LANES)
    lane0 = lane == 0
    zero_idx = lane & 0
    ones_v = jnp.ones((_LANES,), jnp.float32)
    perms = []
    masks = []
    k = _LANES // 2
    while k >= 1:
        perms.append(lane ^ k)
        masks.append((lane & k) != 0)
        k //= 2

    pltpu.make_async_copy(r_hbm.at[base], buf0, sem0).start()
    pltpu.make_async_copy(r_hbm.at[base + 1], buf1, sem1).start()

    def pair_body(i, carry):
        r0 = base + 2 * i
        pltpu.make_async_copy(r_hbm.at[r0], buf0, sem0).wait()
        w0 = _row_winner(buf0, stage, lane, perms, masks, zero_idx)
        plsc.addupdate_scatter(hist, [w0], ones_v, mask=lane0)
        pltpu.make_async_copy(
            r_hbm.at[jnp.minimum(r0 + 2, last)], buf0, sem0).start()
        pltpu.make_async_copy(r_hbm.at[r0 + 1], buf1, sem1).wait()
        w1 = _row_winner(buf1, stage, lane, perms, masks, zero_idx)
        plsc.addupdate_scatter(hist, [w1], ones_v, mask=lane0)
        pltpu.make_async_copy(
            r_hbm.at[jnp.minimum(r0 + 3, last)], buf1, sem1).start()
        return carry

    lax.fori_loop(0, _ROWS_PER_W // 2, pair_body, 0)

    pltpu.make_async_copy(r_hbm.at[last], buf0, sem0).wait()
    pltpu.make_async_copy(r_hbm.at[last], buf1, sem1).wait()

    pltpu.sync_copy(hist, out_hbm.at[wid])


_sc_win_hist = functools.partial(
    pl.kernel,
    out_type=jax.ShapeDtypeStruct((_NW, _F), jnp.float32),
    mesh=plsc.VectorSubcoreMesh(
        core_axis_name="c", subcore_axis_name="s",
        num_cores=_NUM_CORES, num_subcores=_NUM_SUBCORES),
    scratch_types=[
        pltpu.VMEM((2 * _F, 128), jnp.float32),
        pltpu.VMEM((2 * _F, 128), jnp.float32),
        pltpu.VMEM((_LANES, _LANES), jnp.float32),
        pltpu.VMEM((_F,), jnp.float32),
        pltpu.SemaphoreType.DMA,
        pltpu.SemaphoreType.DMA,
    ],
    compiler_params=pltpu.CompilerParams(
        needs_layout_passes=False, use_tc_tiling_on_sc=True),
)(_sc_body)


def _finish_body(p_ref, freq_ref, boost_ref):
    counts = jnp.sum(p_ref[...], axis=0)
    freq = counts * (1.0 / float(_K * _B))
    freq_ref[...] = _EMA_D * freq + (1.0 - _EMA_D) * freq
    boost_ref[...] = jnp.ones((_F,), jnp.float32)


_finish = pl.pallas_call(
    _finish_body,
    out_shape=(
        jax.ShapeDtypeStruct((_F,), jnp.float32),
        jax.ShapeDtypeStruct((_F,), jnp.float32),
    ),
)


def kernel(R):
    r = R.reshape(_B, 2 * _F, 128)
    partials = _sc_win_hist(r)
    freq_ema, boosting_weights = _finish(partials)
    return freq_ema, boosting_weights

# --- scband reference (transcript-rebuilt; emitter-appended) ---
"""Pipeline reference for scband-sparse-coding-24927990186494 (READ-ONLY COPY).

The authoritative reference and input builder live on the scoring server;
editing this copy changes nothing except your own understanding.
"""

import jax, jax.numpy as jnp
import numpy as np

NUM_FEATURES = 128
K = 1
EMA_DECAY = 0.95
BOOST_UPDATE_COUNT = 30000


def setup_inputs(seed: int = 0) -> dict:
    key = jax.random.key(seed)
    R = jax.random.normal(key, (1024, NUM_FEATURES, 16, 16), dtype=jnp.float32)
    return {"R": R}


def reference(R):
    # Faithful translation of SparseCoding.update(R) on the FIRST call
    # (not_initialized=True, lifetime=True, N starts at boost_update_count-2
    #  so the boosting-weight branch is NOT triggered).
    shp = R.shape
    B = shp[0]
    F = shp[1]
    capsule_routing = R.reshape(B, F, -1)
    # Rank routing coefficients
    capsule_routing_sum = capsule_routing.sum(axis=-1)            # [B, F]
    # order = capsule_routing_sum.sort(1, descending=True)[1]
    order = jnp.argsort(-capsule_routing_sum, axis=1)             # [B, F]
    # ranks = (-order).sort(1, descending=True)[1]  == inverse permutation == rank of each feature
    ranks = jnp.argsort(order, axis=1)                            # [B, F]
    # Winning frequency (masked_freq=False path)
    win_counts = (ranks < K).sum(axis=0)                          # [F]
    freq = win_counts.astype(jnp.float32) / float(K * B)          # [F]
    # Moving average: first call initializes freq_ema = freq and sets
    # ema_decay = 0.95 ** (1/boost_update_count), then applies one EMA step.
    ema_decay = EMA_DECAY ** (1.0 / BOOST_UPDATE_COUNT)
    freq_ema = freq
    freq_ema = ema_decay * freq_ema + (1.0 - ema_decay) * freq
    # N goes 29998 -> 29999 != boost_update_count, so boosting weights unchanged.
    boosting_weights = jnp.ones((F,), dtype=jnp.float32)
    return freq_ema, boosting_weights

if __name__ == "__main__":
    import jax
    _d = setup_inputs()
    print(jax.jit(kernel)(*tuple(_d.values())))

</pallas_src>

<mosaic_0001>
#map = affine_map<(d0, d1) -> (0, 0, 0)>
#map1 = affine_map<(d0, d1) -> (0, 0)>
module attributes {stable_mosaic.version = 14 : i64} {
  func.func @_sc_body(%arg0: i32, %arg1: i32, %arg2: memref<1024x256x128xf32, #tpu.memory_space<hbm>>, %arg3: memref<32x128xf32, #tpu.memory_space<hbm>>, %arg4: memref<256x128xf32, #tpu.memory_space<vmem>>, %arg5: memref<256x128xf32, #tpu.memory_space<vmem>>, %arg6: memref<16x16xf32, #tpu.memory_space<vmem>>, %arg7: memref<128xf32, #tpu.memory_space<vmem>>, %arg8: memref<!tpu.dma_semaphore, #tpu.memory_space<semaphore_mem>>, %arg9: memref<!tpu.dma_semaphore, #tpu.memory_space<semaphore_mem>>) attributes {dimension_semantics = [#tpu.dimension_semantics<core_parallel>, #tpu.dimension_semantics<subcore_parallel>], iteration_bounds = array<i64: 2, 16>, scalar_prefetch = 0 : i64, scratch_operands = 6 : i64, tpu.core_type = #tpu.core_type<sc_vector_subcore>, window_params = [{transform_indices = #map}, {transform_indices = #map1}]} {
    %mul3A = arith.constant 16 : i32
    %mul3A_0 = arith.muli %arg0, %mul3A : i32
    %add3A = arith.addi %mul3A_0, %arg1 : i32
    %mul3A_1 = arith.constant 32 : i32
    %mul3A_2 = arith.muli %add3A, %mul3A_1 : i32
    %add3A_3 = arith.constant 32 : i32
    %add3A_4 = arith.addi %mul3A_2, %add3A_3 : i32
    %sub3A = arith.constant 1 : i32
    %sub3A_5 = arith.subi %add3A_4, %sub3A : i32
    %broadcast_in_dim3A = arith.constant 0.000000e+00 : f32
    %broadcast_in_dim3A_6 = vector.broadcast %broadcast_in_dim3A : f32 to vector<16xf32>
    %swap3A = arith.constant 0 : index
    %swap3A_7 = tpu.vector_load %arg7[%swap3A] {strides = array<i32>} : memref<128xf32, #tpu.memory_space<vmem>>, vector<16xf32>,
    tpu.vector_store %arg7[%swap3A], %broadcast_in_dim3A_6 {strides = array<i32>} : memref<128xf32, #tpu.memory_space<vmem>>, vector<16xf32>,
    %swap3A_8 = arith.constant 16 : index
    %swap3A_9 = tpu.vector_load %arg7[%swap3A_8] {strides = array<i32>} : memref<128xf32, #tpu.memory_space<vmem>>, vector<16xf32>,
    tpu.vector_store %arg7[%swap3A_8], %broadcast_in_dim3A_6 {strides = array<i32>} : memref<128xf32, #tpu.memory_space<vmem>>, vector<16xf32>,
    %swap3A_10 = arith.constant 32 : index
    %swap3A_11 = tpu.vector_load %arg7[%swap3A_10] {strides = array<i32>} : memref<128xf32, #tpu.memory_space<vmem>>, vector<16xf32>,
    tpu.vector_store %arg7[%swap3A_10], %broadcast_in_dim3A_6 {strides = array<i32>} : memref<128xf32, #tpu.memory_space<vmem>>, vector<16xf32>,
    %swap3A_12 = arith.constant 48 : index
    %swap3A_13 = tpu.vector_load %arg7[%swap3A_12] {strides = array<i32>} : memref<128xf32, #tpu.memory_space<vmem>>, vector<16xf32>,
    tpu.vector_store %arg7[%swap3A_12], %broadcast_in_dim3A_6 {strides = array<i32>} : memref<128xf32, #tpu.memory_space<vmem>>, vector<16xf32>,
    %swap3A_14 = arith.constant 64 : index
    %swap3A_15 = tpu.vector_load %arg7[%swap3A_14] {strides = array<i32>} : memref<128xf32, #tpu.memory_space<vmem>>, vector<16xf32>,
    tpu.vector_store %arg7[%swap3A_14], %broadcast_in_dim3A_6 {strides = array<i32>} : memref<128xf32, #tpu.memory_space<vmem>>, vector<16xf32>,
    %swap3A_16 = arith.constant 80 : index
    %swap3A_17 = tpu.vector_load %arg7[%swap3A_16] {strides = array<i32>} : memref<128xf32, #tpu.memory_space<vmem>>, vector<16xf32>,
    tpu.vector_store %arg7[%swap3A_16], %broadcast_in_dim3A_6 {strides = array<i32>} : memref<128xf32, #tpu.memory_space<vmem>>, vector<16xf32>,
    %swap3A_18 = arith.constant 96 : index
    %swap3A_19 = tpu.vector_load %arg7[%swap3A_18] {strides = array<i32>} : memref<128xf32, #tpu.memory_space<vmem>>, vector<16xf32>,
    tpu.vector_store %arg7[%swap3A_18], %broadcast_in_dim3A_6 {strides = array<i32>} : memref<128xf32, #tpu.memory_space<vmem>>, vector<16xf32>,
    %swap3A_20 = arith.constant 112 : index
    %swap3A_21 = tpu.vector_load %arg7[%swap3A_20] {strides = array<i32>} : memref<128xf32, #tpu.memory_space<vmem>>, vector<16xf32>,
    tpu.vector_store %arg7[%swap3A_20], %broadcast_in_dim3A_6 {strides = array<i32>} : memref<128xf32, #tpu.memory_space<vmem>>, vector<16xf32>,
    %iota3A = tpu.iota {dimensions = array<i32: 0>} : vector<16xi32>
    %eq3A = arith.constant 0 : i32
    %eq3A_22 = vector.broadcast %eq3A : i32 to vector<16xi32>
    %eq3A_23 = arith.cmpi eq, %iota3A, %eq3A_22 : vector<16xi32>
    %and3A = arith.constant 0 : i32
    %and3A_24 = vector.broadcast %and3A : i32 to vector<16xi32>
    %and3A_25 = arith.andi %iota3A, %and3A_24 : vector<16xi32>
    %broadcast_in_dim3A_26 = arith.constant 1.000000e+00 : f32
    %broadcast_in_dim3A_27 = vector.broadcast %broadcast_in_dim3A_26 : f32 to vector<16xf32>
    %xor3A = arith.constant 8 : i32
    %xor3A_28 = vector.broadcast %xor3A : i32 to vector<16xi32>
    %xor3A_29 = arith.xori %iota3A, %xor3A_28 : vector<16xi32>
    %and3A_30 = arith.constant 8 : i32
    %and3A_31 = vector.broadcast %and3A_30 : i32 to vector<16xi32>
    %and3A_32 = arith.andi %iota3A, %and3A_31 : vector<16xi32>
    %ne3A = arith.constant 0 : i32
    %ne3A_33 = vector.broadcast %ne3A : i32 to vector<16xi32>
    %ne3A_34 = arith.cmpi ne, %and3A_32, %ne3A_33 : vector<16xi32>
    %xor3A_35 = arith.constant 4 : i32
    %xor3A_36 = vector.broadcast %xor3A_35 : i32 to vector<16xi32>
    %xor3A_37 = arith.xori %iota3A, %xor3A_36 : vector<16xi32>
    %and3A_38 = arith.constant 4 : i32
    %and3A_39 = vector.broadcast %and3A_38 : i32 to vector<16xi32>
    %and3A_40 = arith.andi %iota3A, %and3A_39 : vector<16xi32>
    %ne3A_41 = arith.constant 0 : i32
    %ne3A_42 = vector.broadcast %ne3A_41 : i32 to vector<16xi32>
    %ne3A_43 = arith.cmpi ne, %and3A_40, %ne3A_42 : vector<16xi32>
    %xor3A_44 = arith.constant 2 : i32
    %xor3A_45 = vector.broadcast %xor3A_44 : i32 to vector<16xi32>
    %xor3A_46 = arith.xori %iota3A, %xor3A_45 : vector<16xi32>
    %and3A_47 = arith.constant 2 : i32
    %and3A_48 = vector.broadcast %and3A_47 : i32 to vector<16xi32>
    %and3A_49 = arith.andi %iota3A, %and3A_48 : vector<16xi32>
    %ne3A_50 = arith.constant 0 : i32
    %ne3A_51 = vector.broadcast %ne3A_50 : i32 to vector<16xi32>
    %ne3A_52 = arith.cmpi ne, %and3A_49, %ne3A_51 : vector<16xi32>
    %xor3A_53 = arith.constant 1 : i32
    %xor3A_54 = vector.broadcast %xor3A_53 : i32 to vector<16xi32>
    %xor3A_55 = arith.xori %iota3A, %xor3A_54 : vector<16xi32>
    %and3A_56 = arith.constant 1 : i32
    %and3A_57 = vector.broadcast %and3A_56 : i32 to vector<16xi32>
    %and3A_58 = arith.andi %iota3A, %and3A_57 : vector<16xi32>
    %ne3A_59 = arith.constant 0 : i32
    %ne3A_60 = vector.broadcast %ne3A_59 : i32 to vector<16xi32>
    %ne3A_61 = arith.cmpi ne, %and3A_58, %ne3A_60 : vector<16xi32>
    %dma_start3A = arith.constant 0 : i32
    %dma_start3A_62 = arith.constant 0 : i32
    %dma_start3A_63 = tpu.memref_slice %arg2[%mul3A_2, %dma_start3A, %dma_start3A_62] : memref<1024x256x128xf32, #tpu.memory_space<hbm>> -> memref<1x256x128xf32, #tpu.memory_space<hbm>>
    %dma_start3A_64 = tpu.memref_squeeze %dma_start3A_63 : memref<1x256x128xf32, #tpu.memory_space<hbm>> -> memref<256x128xf32, #tpu.memory_space<hbm>>
    %dma_start3A_65 = arith.constant 0 : i32
    %dma_start3A_66 = arith.constant 0 : i32
    %dma_start3A_67 = tpu.memref_slice %arg2[%mul3A_2, %dma_start3A_65, %dma_start3A_66] : memref<1024x256x128xf32, #tpu.memory_space<hbm>> -> memref<1x256x128xf32, #tpu.memory_space<hbm>>
    %dma_start3A_68 = tpu.memref_squeeze %dma_start3A_67 : memref<1x256x128xf32, #tpu.memory_space<hbm>> -> memref<256x128xf32, #tpu.memory_space<hbm>>
    tpu.enqueue_dma source(%dma_start3A_68 : memref<256x128xf32, #tpu.memory_space<hbm>>) target(%arg4 : memref<256x128xf32, #tpu.memory_space<vmem>>) target_semaphore(%arg8 : memref<!tpu.dma_semaphore, #tpu.memory_space<semaphore_mem>>)
    %add3A_69 = arith.constant 1 : i32
    %add3A_70 = arith.addi %mul3A_2, %add3A_69 : i32
    %dma_start3A_71 = arith.constant 0 : i32
    %dma_start3A_72 = arith.constant 0 : i32
    %dma_start3A_73 = tpu.memref_slice %arg2[%add3A_70, %dma_start3A_71, %dma_start3A_72] : memref<1024x256x128xf32, #tpu.memory_space<hbm>> -> memref<1x256x128xf32, #tpu.memory_space<hbm>>
    %dma_start3A_74 = tpu.memref_squeeze %dma_start3A_73 : memref<1x256x128xf32, #tpu.memory_space<hbm>> -> memref<256x128xf32, #tpu.memory_space<hbm>>
    %dma_start3A_75 = arith.constant 0 : i32
    %dma_start3A_76 = arith.constant 0 : i32
    %dma_start3A_77 = tpu.memref_slice %arg2[%add3A_70, %dma_start3A_75, %dma_start3A_76] : memref<1024x256x128xf32, #tpu.memory_space<hbm>> -> memref<1x256x128xf32, #tpu.memory_space<hbm>>
    %dma_start3A_78 = tpu.memref_squeeze %dma_start3A_77 : memref<1x256x128xf32, #tpu.memory_space<hbm>> -> memref<256x128xf32, #tpu.memory_space<hbm>>
    tpu.enqueue_dma source(%dma_start3A_78 : memref<256x128xf32, #tpu.memory_space<hbm>>) target(%arg5 : memref<256x128xf32, #tpu.memory_space<vmem>>) target_semaphore(%arg9 : memref<!tpu.dma_semaphore, #tpu.memory_space<semaphore_mem>>)
    %scan3A = arith.constant 0 : i32
    %scan3A_79 = arith.constant 0 : i32
    %scan3A_80 = arith.constant 16 : i32
    %scan3A_81 = arith.addi %scan3A_79, %scan3A_80 : i32
    %scan3A_82 = arith.constant 1 : i32
    scf.for %scan3A_99 = %scan3A_79 to %scan3A_81 step %scan3A_82  : i32 {
      %mul3A_100 = arith.constant 2 : i32
      %mul3A_101 = arith.muli %mul3A_100, %scan3A_99 : i32
      %add3A_102 = arith.addi %mul3A_2, %mul3A_101 : i32
      %dma_wait3A_103 = arith.constant 0 : i32
      %dma_wait3A_104 = arith.constant 0 : i32
      %dma_wait3A_105 = tpu.memref_slice %arg2[%add3A_102, %dma_wait3A_103, %dma_wait3A_104] : memref<1024x256x128xf32, #tpu.memory_space<hbm>> -> memref<1x256x128xf32, #tpu.memory_space<hbm>>
      %dma_wait3A_106 = tpu.memref_squeeze %dma_wait3A_105 : memref<1x256x128xf32, #tpu.memory_space<hbm>> -> memref<256x128xf32, #tpu.memory_space<hbm>>
      %dma_wait3A_107 = arith.constant 0 : i32
      %dma_wait3A_108 = arith.constant 0 : i32
      %dma_wait3A_109 = tpu.memref_slice %arg2[%add3A_102, %dma_wait3A_107, %dma_wait3A_108] : memref<1024x256x128xf32, #tpu.memory_space<hbm>> -> memref<1x256x128xf32, #tpu.memory_space<hbm>>
      %dma_wait3A_110 = tpu.memref_squeeze %dma_wait3A_109 : memref<1x256x128xf32, #tpu.memory_space<hbm>> -> memref<256x128xf32, #tpu.memory_space<hbm>>
      tpu.wait_dma2 semaphore(%arg8 : memref<!tpu.dma_semaphore, #tpu.memory_space<semaphore_mem>>) src(%dma_wait3A_110 : memref<256x128xf32, #tpu.memory_space<hbm>>) dst(%arg4 : memref<256x128xf32, #tpu.memory_space<vmem>>)
      %broadcast_in_dim3A_111 = arith.constant 0xFF800000 : f32
      %broadcast_in_dim3A_112 = vector.broadcast %broadcast_in_dim3A_111 : f32 to vector<16xf32>
      %scan3A_113 = arith.constant 0 : i32
      %scan3A_114 = arith.constant 8 : i32
      %scan3A_115 = arith.addi %scan3A_113, %scan3A_114 : i32
      %scan3A_116 = arith.constant 1 : i32
      %scan3A_117:2 = scf.for %scan3A_193 = %scan3A_113 to %scan3A_115 step %scan3A_116 iter_args(%scan3A_194 = %broadcast_in_dim3A_112, %scan3A_195 = %iota3A) -> (vector<16xf32>, vector<16xi32>)  : i32 {
        %scan3A_196 = arith.constant 0 : i32
        %scan3A_197 = arith.constant 0 : i32
        %scan3A_198 = arith.constant 16 : i32
        %scan3A_199 = arith.addi %scan3A_197, %scan3A_198 : i32
        %scan3A_200 = arith.constant 1 : i32
        scf.for %scan3A_406 = %scan3A_197 to %scan3A_199 step %scan3A_200  : i32 {
          %mul3A_407 = arith.constant 16 : i32
          %mul3A_408 = arith.muli %scan3A_193, %mul3A_407 : i32
          %add3A_409 = arith.addi %mul3A_408, %scan3A_406 : i32
          %mul3A_410 = arith.constant 2 : i32
          %mul3A_411 = arith.muli %mul3A_410, %add3A_409 : i32
          %add3A_412 = arith.constant 0 : i32
          %add3A_413 = arith.addi %mul3A_411, %add3A_412 : i32
          %get3A_414 = arith.index_cast %add3A_413 : i32 to index
          %get3A_415 = arith.constant 0 : index
          %get3A_416 = tpu.vector_load %arg4[%get3A_414, %get3A_415] {strides = array<i32>} : memref<256x128xf32, #tpu.memory_space<vmem>>, vector<16xf32>,
          %mul3A_417 = arith.constant 2 : i32
          %mul3A_418 = arith.muli %mul3A_417, %add3A_409 : i32
          %add3A_419 = arith.constant 0 : i32
          %add3A_420 = arith.addi %mul3A_418, %add3A_419 : i32
          %get3A_421 = arith.index_cast %add3A_420 : i32 to index
          %get3A_422 = arith.constant 16 : index
          %get3A_423 = tpu.vector_load %arg4[%get3A_421, %get3A_422] {strides = array<i32>} : memref<256x128xf32, #tpu.memory_space<vmem>>, vector<16xf32>,
          %mul3A_424 = arith.constant 2 : i32
          %mul3A_425 = arith.muli %mul3A_424, %add3A_409 : i32
          %add3A_426 = arith.constant 0 : i32
          %add3A_427 = arith.addi %mul3A_425, %add3A_426 : i32
          %get3A_428 = arith.index_cast %add3A_427 : i32 to index
          %get3A_429 = arith.constant 32 : index
          %get3A_430 = tpu.vector_load %arg4[%get3A_428, %get3A_429] {strides = array<i32>} : memref<256x128xf32, #tpu.memory_space<vmem>>, vector<16xf32>,
          %mul3A_431 = arith.constant 2 : i32
          %mul3A_432 = arith.muli %mul3A_431, %add3A_409 : i32
          %add3A_433 = arith.constant 0 : i32
          %add3A_434 = arith.addi %mul3A_432, %add3A_433 : i32
          %get3A_435 = arith.index_cast %add3A_434 : i32 to index
          %get3A_436 = arith.constant 48 : index
          %get3A_437 = tpu.vector_load %arg4[%get3A_435, %get3A_436] {strides = array<i32>} : memref<256x128xf32, #tpu.memory_space<vmem>>, vector<16xf32>,
          %mul3A_438 = arith.constant 2 : i32
          %mul3A_439 = arith.muli %mul3A_438, %add3A_409 : i32
          %add3A_440 = arith.constant 0 : i32
          %add3A_441 = arith.addi %mul3A_439, %add3A_440 : i32
          %get3A_442 = arith.index_cast %add3A_441 : i32 to index
          %get3A_443 = arith.constant 64 : index
          %get3A_444 = tpu.vector_load %arg4[%get3A_442, %get3A_443] {strides = array<i32>} : memref<256x128xf32, #tpu.memory_space<vmem>>, vector<16xf32>,
          %mul3A_445 = arith.constant 2 : i32
          %mul3A_446 = arith.muli %mul3A_445, %add3A_409 : i32
          %add3A_447 = arith.constant 0 : i32
          %add3A_448 = arith.addi %mul3A_446, %add3A_447 : i32
          %get3A_449 = arith.index_cast %add3A_448 : i32 to index
          %get3A_450 = arith.constant 80 : index
          %get3A_451 = tpu.vector_load %arg4[%get3A_449, %get3A_450] {strides = array<i32>} : memref<256x128xf32, #tpu.memory_space<vmem>>, vector<16xf32>,
          %mul3A_452 = arith.constant 2 : i32
          %mul3A_453 = arith.muli %mul3A_452, %add3A_409 : i32
          %add3A_454 = arith.constant 0 : i32
          %add3A_455 = arith.addi %mul3A_453, %add3A_454 : i32
          %get3A_456 = arith.index_cast %add3A_455 : i32 to index
          %get3A_457 = arith.constant 96 : index
          %get3A_458 = tpu.vector_load %arg4[%get3A_456, %get3A_457] {strides = array<i32>} : memref<256x128xf32, #tpu.memory_space<vmem>>, vector<16xf32>,
          %mul3A_459 = arith.constant 2 : i32
          %mul3A_460 = arith.muli %mul3A_459, %add3A_409 : i32
          %add3A_461 = arith.constant 0 : i32
          %add3A_462 = arith.addi %mul3A_460, %add3A_461 : i32
          %get3A_463 = arith.index_cast %add3A_462 : i32 to index
          %get3A_464 = arith.constant 112 : index
          %get3A_465 = tpu.vector_load %arg4[%get3A_463, %get3A_464] {strides = array<i32>} : memref<256x128xf32, #tpu.memory_space<vmem>>, vector<16xf32>,
          %mul3A_466 = arith.constant 2 : i32
          %mul3A_467 = arith.muli %mul3A_466, %add3A_409 : i32
          %add3A_468 = arith.constant 1 : i32
          %add3A_469 = arith.addi %mul3A_467, %add3A_468 : i32
          %get3A_470 = arith.index_cast %add3A_469 : i32 to index
          %get3A_471 = arith.constant 0 : index
          %get3A_472 = tpu.vector_load %arg4[%get3A_470, %get3A_471] {strides = array<i32>} : memref<256x128xf32, #tpu.memory_space<vmem>>, vector<16xf32>,
          %mul3A_473 = arith.constant 2 : i32
          %mul3A_474 = arith.muli %mul3A_473, %add3A_409 : i32
          %add3A_475 = arith.constant 1 : i32
          %add3A_476 = arith.addi %mul3A_474, %add3A_475 : i32
          %get3A_477 = arith.index_cast %add3A_476 : i32 to index
          %get3A_478 = arith.constant 16 : index
          %get3A_479 = tpu.vector_load %arg4[%get3A_477, %get3A_478] {strides = array<i32>} : memref<256x128xf32, #tpu.memory_space<vmem>>, vector<16xf32>,
          %mul3A_480 = arith.constant 2 : i32
          %mul3A_481 = arith.muli %mul3A_480, %add3A_409 : i32
          %add3A_482 = arith.constant 1 : i32
          %add3A_483 = arith.addi %mul3A_481, %add3A_482 : i32
          %get3A_484 = arith.index_cast %add3A_483 : i32 to index
          %get3A_485 = arith.constant 32 : index
          %get3A_486 = tpu.vector_load %arg4[%get3A_484, %get3A_485] {strides = array<i32>} : memref<256x128xf32, #tpu.memory_space<vmem>>, vector<16xf32>,
          %mul3A_487 = arith.constant 2 : i32
          %mul3A_488 = arith.muli %mul3A_487, %add3A_409 : i32
          %add3A_489 = arith.constant 1 : i32
          %add3A_490 = arith.addi %mul3A_488, %add3A_489 : i32
          %get3A_491 = arith.index_cast %add3A_490 : i32 to index
          %get3A_492 = arith.constant 48 : index
          %get3A_493 = tpu.vector_load %arg4[%get3A_491, %get3A_492] {strides = array<i32>} : memref<256x128xf32, #tpu.memory_space<vmem>>, vector<16xf32>,
          %mul3A_494 = arith.constant 2 : i32
          %mul3A_495 = arith.muli %mul3A_494, %add3A_409 : i32
          %add3A_496 = arith.constant 1 : i32
          %add3A_497 = arith.addi %mul3A_495, %add3A_496 : i32
          %get3A_498 = arith.index_cast %add3A_497 : i32 to index
          %get3A_499 = arith.constant 64 : index
          %get3A_500 = tpu.vector_load %arg4[%get3A_498, %get3A_499] {strides = array<i32>} : memref<256x128xf32, #tpu.memory_space<vmem>>, vector<16xf32>,
          %mul3A_501 = arith.constant 2 : i32
          %mul3A_502 = arith.muli %mul3A_501, %add3A_409 : i32
          %add3A_503 = arith.constant 1 : i32
          %add3A_504 = arith.addi %mul3A_502, %add3A_503 : i32
          %get3A_505 = arith.index_cast %add3A_504 : i32 to index
          %get3A_506 = arith.constant 80 : index
          %get3A_507 = tpu.vector_load %arg4[%get3A_505, %get3A_506] {strides = array<i32>} : memref<256x128xf32, #tpu.memory_space<vmem>>, vector<16xf32>,
          %mul3A_508 = arith.constant 2 : i32
          %mul3A_509 = arith.muli %mul3A_508, %add3A_409 : i32
          %add3A_510 = arith.constant 1 : i32
          %add3A_511 = arith.addi %mul3A_509, %add3A_510 : i32
          %get3A_512 = arith.index_cast %add3A_511 : i32 to index
          %get3A_513 = arith.constant 96 : index
          %get3A_514 = tpu.vector_load %arg4[%get3A_512, %get3A_513] {strides = array<i32>} : memref<256x128xf32, #tpu.memory_space<vmem>>, vector<16xf32>,
          %mul3A_515 = arith.constant 2 : i32
          %mul3A_516 = arith.muli %mul3A_515, %add3A_409 : i32
          %add3A_517 = arith.constant 1 : i32
          %add3A_518 = arith.addi %mul3A_516, %add3A_517 : i32
          %get3A_519 = arith.index_cast %add3A_518 : i32 to index
          %get3A_520 = arith.constant 112 : index
          %get3A_521 = tpu.vector_load %arg4[%get3A_519, %get3A_520] {strides = array<i32>} : memref<256x128xf32, #tpu.memory_space<vmem>>, vector<16xf32>,
          %add3A_522 = arith.addf %get3A_416, %get3A_423 : vector<16xf32>
          %add3A_523 = arith.addf %get3A_430, %get3A_437 : vector<16xf32>
          %add3A_524 = arith.addf %get3A_444, %get3A_451 : vector<16xf32>
          %add3A_525 = arith.addf %get3A_458, %get3A_465 : vector<16xf32>
          %add3A_526 = arith.addf %get3A_472, %get3A_479 : vector<16xf32>
          %add3A_527 = arith.addf %get3A_486, %get3A_493 : vector<16xf32>
          %add3A_528 = arith.addf %get3A_500, %get3A_507 : vector<16xf32>
          %add3A_529 = arith.addf %get3A_514, %get3A_521 : vector<16xf32>
          %add3A_530 = arith.addf %add3A_522, %add3A_523 : vector<16xf32>
          %add3A_531 = arith.addf %add3A_524, %add3A_525 : vector<16xf32>
          %add3A_532 = arith.addf %add3A_526, %add3A_527 : vector<16xf32>
          %add3A_533 = arith.addf %add3A_528, %add3A_529 : vector<16xf32>
          %add3A_534 = arith.addf %add3A_530, %add3A_531 : vector<16xf32>
          %add3A_535 = arith.addf %add3A_532, %add3A_533 : vector<16xf32>
          %add3A_536 = arith.addf %add3A_534, %add3A_535 : vector<16xf32>
          %swap3A_537 = arith.index_cast %scan3A_406 : i32 to index
          %swap3A_538 = arith.constant 0 : index
          %swap3A_539 = tpu.vector_load %arg6[%swap3A_537, %swap3A_538] {strides = array<i32>} : memref<16x16xf32, #tpu.memory_space<vmem>>, vector<16xf32>,
          tpu.vector_store %arg6[%swap3A_537, %swap3A_538], %add3A_536 {strides = array<i32>} : memref<16x16xf32, #tpu.memory_space<vmem>>, vector<16xf32>,
        }
        %scan3A_201 = arith.constant 16 : i32
        %get3A = arith.constant 0 : i32
        %get3A_202 = arith.index_cast %get3A : i32 to index
        %get3A_203 = arith.constant 0 : index
        %get3A_204 = tpu.vector_load %arg6[%get3A_202, %get3A_203] {strides = array<i32>} : memref<16x16xf32, #tpu.memory_space<vmem>>, vector<16xf32>,
        %get3A_205 = arith.constant 1 : i32
        %get3A_206 = arith.index_cast %get3A_205 : i32 to index
        %get3A_207 = arith.constant 0 : index
        %get3A_208 = tpu.vector_load %arg6[%get3A_206, %get3A_207] {strides = array<i32>} : memref<16x16xf32, #tpu.memory_space<vmem>>, vector<16xf32>,
        %get3A_209 = arith.constant 2 : i32
        %get3A_210 = arith.index_cast %get3A_209 : i32 to index
        %get3A_211 = arith.constant 0 : index
        %get3A_212 = tpu.vector_load %arg6[%get3A_210, %get3A_211] {strides = array<i32>} : memref<16x16xf32, #tpu.memory_space<vmem>>, vector<16xf32>,
        %get3A_213 = arith.constant 3 : i32
        %get3A_214 = arith.index_cast %get3A_213 : i32 to index
        %get3A_215 = arith.constant 0 : index
        %get3A_216 = tpu.vector_load %arg6[%get3A_214, %get3A_215] {strides = array<i32>} : memref<16x16xf32, #tpu.memory_space<vmem>>, vector<16xf32>,
        %get3A_217 = arith.constant 4 : i32
        %get3A_218 = arith.index_cast %get3A_217 : i32 to index
        %get3A_219 = arith.constant 0 : index
        %get3A_220 = tpu.vector_load %arg6[%get3A_218, %get3A_219] {strides = array<i32>} : memref<16x16xf32, #tpu.memory_space<vmem>>, vector<16xf32>,
        %get3A_221 = arith.constant 5 : i32
        %get3A_222 = arith.index_cast %get3A_221 : i32 to index
        %get3A_223 = arith.constant 0 : index
        %get3A_224 = tpu.vector_load %arg6[%get3A_222, %get3A_223] {strides = array<i32>} : memref<16x16xf32, #tpu.memory_space<vmem>>, vector<16xf32>,
        %get3A_225 = arith.constant 6 : i32
        %get3A_226 = arith.index_cast %get3A_225 : i32 to index
        %get3A_227 = arith.constant 0 : index
        %get3A_228 = tpu.vector_load %arg6[%get3A_226, %get3A_227] {strides = array<i32>} : memref<16x16xf32, #tpu.memory_space<vmem>>, vector<16xf32>,
        %get3A_229 = arith.constant 7 : i32
        %get3A_230 = arith.index_cast %get3A_229 : i32 to index
        %get3A_231 = arith.constant 0 : index
        %get3A_232 = tpu.vector_load %arg6[%get3A_230, %get3A_231] {strides = array<i32>} : memref<16x16xf32, #tpu.memory_space<vmem>>, vector<16xf32>,
        %get3A_233 = arith.constant 8 : i32
        %get3A_234 = arith.index_cast %get3A_233 : i32 to index
        %get3A_235 = arith.constant 0 : index
        %get3A_236 = tpu.vector_load %arg6[%get3A_234, %get3A_235] {strides = array<i32>} : memref<16x16xf32, #tpu.memory_space<vmem>>, vector<16xf32>,
        %get3A_237 = arith.constant 9 : i32
        %get3A_238 = arith.index_cast %get3A_237 : i32 to index
        %get3A_239 = arith.constant 0 : index
        %get3A_240 = tpu.vector_load %arg6[%get3A_238, %get3A_239] {strides = array<i32>} : memref<16x16xf32, #tpu.memory_space<vmem>>, vector<16xf32>,
        %get3A_241 = arith.constant 10 : i32
        %get3A_242 = arith.index_cast %get3A_241 : i32 to index
        %get3A_243 = arith.constant 0 : index
        %get3A_244 = tpu.vector_load %arg6[%get3A_242, %get3A_243] {strides = array<i32>} : memref<16x16xf32, #tpu.memory_space<vmem>>, vector<16xf32>,
        %get3A_245 = arith.constant 11 : i32
        %get3A_246 = arith.index_cast %get3A_245 : i32 to index
        %get3A_247 = arith.constant 0 : index
        %get3A_248 = tpu.vector_load %arg6[%get3A_246, %get3A_247] {strides = array<i32>} : memref<16x16xf32, #tpu.memory_space<vmem>>, vector<16xf32>,
        %get3A_249 = arith.constant 12 : i32
        %get3A_250 = arith.index_cast %get3A_249 : i32 to index
        %get3A_251 = arith.constant 0 : index
        %get3A_252 = tpu.vector_load %arg6[%get3A_250, %get3A_251] {strides = array<i32>} : memref<16x16xf32, #tpu.memory_space<vmem>>, vector<16xf32>,
        %get3A_253 = arith.constant 13 : i32
        %get3A_254 = arith.index_cast %get3A_253 : i32 to index
        %get3A_255 = arith.constant 0 : index
        %get3A_256 = tpu.vector_load %arg6[%get3A_254, %get3A_255] {strides = array<i32>} : memref<16x16xf32, #tpu.memory_space<vmem>>, vector<16xf32>,
        %get3A_257 = arith.constant 14 : i32
        %get3A_258 = arith.index_cast %get3A_257 : i32 to index
        %get3A_259 = arith.constant 0 : index
        %get3A_260 = tpu.vector_load %arg6[%get3A_258, %get3A_259] {strides = array<i32>} : memref<16x16xf32, #tpu.memory_space<vmem>>, vector<16xf32>,
        %get3A_261 = arith.constant 15 : i32
        %get3A_262 = arith.index_cast %get3A_261 : i32 to index
        %get3A_263 = arith.constant 0 : index
        %get3A_264 = tpu.vector_load %arg6[%get3A_262, %get3A_263] {strides = array<i32>} : memref<16x16xf32, #tpu.memory_space<vmem>>, vector<16xf32>,
        %broadcast_in_dim3A_265 = vector.shape_cast %xor3A_29 : vector<16xi32> to vector<16x1xi32>
        %gather3A_266 = vector.shape_cast %broadcast_in_dim3A_265 : vector<16x1xi32> to vector<16xi32>
        %gather3A_267 = tpu.dynamic_gather %get3A_204[%gather3A_266] in [0] : vector<16xf32>, vector<16xi32> -> vector<16xf32>
        %add3A_268 = arith.addf %get3A_204, %gather3A_267 : vector<16xf32>
        %broadcast_in_dim3A_269 = vector.shape_cast %xor3A_29 : vector<16xi32> to vector<16x1xi32>
        %gather3A_270 = vector.shape_cast %broadcast_in_dim3A_269 : vector<16x1xi32> to vector<16xi32>
        %gather3A_271 = tpu.dynamic_gather %get3A_208[%gather3A_270] in [0] : vector<16xf32>, vector<16xi32> -> vector<16xf32>
        %add3A_272 = arith.addf %get3A_208, %gather3A_271 : vector<16xf32>
        %broadcast_in_dim3A_273 = vector.shape_cast %xor3A_29 : vector<16xi32> to vector<16x1xi32>
        %gather3A_274 = vector.shape_cast %broadcast_in_dim3A_273 : vector<16x1xi32> to vector<16xi32>
        %gather3A_275 = tpu.dynamic_gather %get3A_212[%gather3A_274] in [0] : vector<16xf32>, vector<16xi32> -> vector<16xf32>
        %add3A_276 = arith.addf %get3A_212, %gather3A_275 : vector<16xf32>
        %broadcast_in_dim3A_277 = vector.shape_cast %xor3A_29 : vector<16xi32> to vector<16x1xi32>
        %gather3A_278 = vector.shape_cast %broadcast_in_dim3A_277 : vector<16x1xi32> to vector<16xi32>
        %gather3A_279 = tpu.dynamic_gather %get3A_216[%gather3A_278] in [0] : vector<16xf32>, vector<16xi32> -> vector<16xf32>
        %add3A_280 = arith.addf %get3A_216, %gather3A_279 : vector<16xf32>
        %broadcast_in_dim3A_281 = vector.shape_cast %xor3A_29 : vector<16xi32> to vector<16x1xi32>
        %gather3A_282 = vector.shape_cast %broadcast_in_dim3A_281 : vector<16x1xi32> to vector<16xi32>
        %gather3A_283 = tpu.dynamic_gather %get3A_220[%gather3A_282] in [0] : vector<16xf32>, vector<16xi32> -> vector<16xf32>
        %add3A_284 = arith.addf %get3A_220, %gather3A_283 : vector<16xf32>
        %broadcast_in_dim3A_285 = vector.shape_cast %xor3A_29 : vector<16xi32> to vector<16x1xi32>
        %gather3A_286 = vector.shape_cast %broadcast_in_dim3A_285 : vector<16x1xi32> to vector<16xi32>
        %gather3A_287 = tpu.dynamic_gather %get3A_224[%gather3A_286] in [0] : vector<16xf32>, vector<16xi32> -> vector<16xf32>
        %add3A_288 = arith.addf %get3A_224, %gather3A_287 : vector<16xf32>
        %broadcast_in_dim3A_289 = vector.shape_cast %xor3A_29 : vector<16xi32> to vector<16x1xi32>
        %gather3A_290 = vector.shape_cast %broadcast_in_dim3A_289 : vector<16x1xi32> to vector<16xi32>
        %gather3A_291 = tpu.dynamic_gather %get3A_228[%gather3A_290] in [0] : vector<16xf32>, vector<16xi32> -> vector<16xf32>
        %add3A_292 = arith.addf %get3A_228, %gather3A_291 : vector<16xf32>
        %broadcast_in_dim3A_293 = vector.shape_cast %xor3A_29 : vector<16xi32> to vector<16x1xi32>
        %gather3A_294 = vector.shape_cast %broadcast_in_dim3A_293 : vector<16x1xi32> to vector<16xi32>
        %gather3A_295 = tpu.dynamic_gather %get3A_232[%gather3A_294] in [0] : vector<16xf32>, vector<16xi32> -> vector<16xf32>
        %add3A_296 = arith.addf %get3A_232, %gather3A_295 : vector<16xf32>
        %broadcast_in_dim3A_297 = vector.shape_cast %xor3A_29 : vector<16xi32> to vector<16x1xi32>
        %gather3A_298 = vector.shape_cast %broadcast_in_dim3A_297 : vector<16x1xi32> to vector<16xi32>
        %gather3A_299 = tpu.dynamic_gather %get3A_236[%gather3A_298] in [0] : vector<16xf32>, vector<16xi32> -> vector<16xf32>
        %add3A_300 = arith.addf %get3A_236, %gather3A_299 : vector<16xf32>
        %broadcast_in_dim3A_301 = vector.shape_cast %xor3A_29 : vector<16xi32> to vector<16x1xi32>
        %gather3A_302 = vector.shape_cast %broadcast_in_dim3A_301 : vector<16x1xi32> to vector<16xi32>
        %gather3A_303 = tpu.dynamic_gather %get3A_240[%gather3A_302] in [0] : vector<16xf32>, vector<16xi32> -> vector<16xf32>
        %add3A_304 = arith.addf %get3A_240, %gather3A_303 : vector<16xf32>
        %broadcast_in_dim3A_305 = vector.shape_cast %xor3A_29 : vector<16xi32> to vector<16x1xi32>
        %gather3A_306 = vector.shape_cast %broadcast_in_dim3A_305 : vector<16x1xi32> to vector<16xi32>
        %gather3A_307 = tpu.dynamic_gather %get3A_244[%gather3A_306] in [0] : vector<16xf32>, vector<16xi32> -> vector<16xf32>
        %add3A_308 = arith.addf %get3A_244, %gather3A_307 : vector<16xf32>
        %broadcast_in_dim3A_309 = vector.shape_cast %xor3A_29 : vector<16xi32> to vector<16x1xi32>
        %gather3A_310 = vector.shape_cast %broadcast_in_dim3A_309 : vector<16x1xi32> to vector<16xi32>
        %gather3A_311 = tpu.dynamic_gather %get3A_248[%gather3A_310] in [0] : vector<16xf32>, vector<16xi32> -> vector<16xf32>
        %add3A_312 = arith.addf %get3A_248, %gather3A_311 : vector<16xf32>
        %broadcast_in_dim3A_313 = vector.shape_cast %xor3A_29 : vector<16xi32> to vector<16x1xi32>
        %gather3A_314 = vector.shape_cast %broadcast_in_dim3A_313 : vector<16x1xi32> to vector<16xi32>
        %gather3A_315 = tpu.dynamic_gather %get3A_252[%gather3A_314] in [0] : vector<16xf32>, vector<16xi32> -> vector<16xf32>
        %add3A_316 = arith.addf %get3A_252, %gather3A_315 : vector<16xf32>
        %broadcast_in_dim3A_317 = vector.shape_cast %xor3A_29 : vector<16xi32> to vector<16x1xi32>
        %gather3A_318 = vector.shape_cast %broadcast_in_dim3A_317 : vector<16x1xi32> to vector<16xi32>
        %gather3A_319 = tpu.dynamic_gather %get3A_256[%gather3A_318] in [0] : vector<16xf32>, vector<16xi32> -> vector<16xf32>
        %add3A_320 = arith.addf %get3A_256, %gather3A_319 : vector<16xf32>
        %broadcast_in_dim3A_321 = vector.shape_cast %xor3A_29 : vector<16xi32> to vector<16x1xi32>
        %gather3A_322 = vector.shape_cast %broadcast_in_dim3A_321 : vector<16x1xi32> to vector<16xi32>
        %gather3A_323 = tpu.dynamic_gather %get3A_260[%gather3A_322] in [0] : vector<16xf32>, vector<16xi32> -> vector<16xf32>
        %add3A_324 = arith.addf %get3A_260, %gather3A_323 : vector<16xf32>
        %broadcast_in_dim3A_325 = vector.shape_cast %xor3A_29 : vector<16xi32> to vector<16x1xi32>
        %gather3A_326 = vector.shape_cast %broadcast_in_dim3A_325 : vector<16x1xi32> to vector<16xi32>
        %gather3A_327 = tpu.dynamic_gather %get3A_264[%gather3A_326] in [0] : vector<16xf32>, vector<16xi32> -> vector<16xf32>
        %add3A_328 = arith.addf %get3A_264, %gather3A_327 : vector<16xf32>
        %select_n3A_329 = arith.select %ne3A_34, %add3A_300, %add3A_268 : vector<16xi1>, vector<16xf32>
        %select_n3A_330 = arith.select %ne3A_34, %add3A_304, %add3A_272 : vector<16xi1>, vector<16xf32>
        %select_n3A_331 = arith.select %ne3A_34, %add3A_308, %add3A_276 : vector<16xi1>, vector<16xf32>
        %select_n3A_332 = arith.select %ne3A_34, %add3A_312, %add3A_280 : vector<16xi1>, vector<16xf32>
        %select_n3A_333 = arith.select %ne3A_34, %add3A_316, %add3A_284 : vector<16xi1>, vector<16xf32>
        %select_n3A_334 = arith.select %ne3A_34, %add3A_320, %add3A_288 : vector<16xi1>, vector<16xf32>
        %select_n3A_335 = arith.select %ne3A_34, %add3A_324, %add3A_292 : vector<16xi1>, vector<16xf32>
        %select_n3A_336 = arith.select %ne3A_34, %add3A_328, %add3A_296 : vector<16xi1>, vector<16xf32>
        %broadcast_in_dim3A_337 = vector.shape_cast %xor3A_37 : vector<16xi32> to vector<16x1xi32>
        %gather3A_338 = vector.shape_cast %broadcast_in_dim3A_337 : vector<16x1xi32> to vector<16xi32>
        %gather3A_339 = tpu.dynamic_gather %select_n3A_329[%gather3A_338] in [0] : vector<16xf32>, vector<16xi32> -> vector<16xf32>
        %add3A_340 = arith.addf %select_n3A_329, %gather3A_339 : vector<16xf32>
        %broadcast_in_dim3A_341 = vector.shape_cast %xor3A_37 : vector<16xi32> to vector<16x1xi32>
        %gather3A_342 = vector.shape_cast %broadcast_in_dim3A_341 : vector<16x1xi32> to vector<16xi32>
        %gather3A_343 = tpu.dynamic_gather %select_n3A_330[%gather3A_342] in [0] : vector<16xf32>, vector<16xi32> -> vector<16xf32>
        %add3A_344 = arith.addf %select_n3A_330, %gather3A_343 : vector<16xf32>
        %broadcast_in_dim3A_345 = vector.shape_cast %xor3A_37 : vector<16xi32> to vector<16x1xi32>
        %gather3A_346 = vector.shape_cast %broadcast_in_dim3A_345 : vector<16x1xi32> to vector<16xi32>
        %gather3A_347 = tpu.dynamic_gather %select_n3A_331[%gather3A_346] in [0] : vector<16xf32>, vector<16xi32> -> vector<16xf32>
        %add3A_348 = arith.addf %select_n3A_331, %gather3A_347 : vector<16xf32>
        %broadcast_in_dim3A_349 = vector.shape_cast %xor3A_37 : vector<16xi32> to vector<16x1xi32>
        %gather3A_350 = vector.shape_cast %broadcast_in_dim3A_349 : vector<16x1xi32> to vector<16xi32>
        %gather3A_351 = tpu.dynamic_gather %select_n3A_332[%gather3A_350] in [0] : vector<16xf32>, vector<16xi32> -> vector<16xf32>
        %add3A_352 = arith.addf %select_n3A_332, %gather3A_351 : vector<16xf32>
        %broadcast_in_dim3A_353 = vector.shape_cast %xor3A_37 : vector<16xi32> to vector<16x1xi32>
        %gather3A_354 = vector.shape_cast %broadcast_in_dim3A_353 : vector<16x1xi32> to vector<16xi32>
        %gather3A_355 = tpu.dynamic_gather %select_n3A_333[%gather3A_354] in [0] : vector<16xf32>, vector<16xi32> -> vector<16xf32>
        %add3A_356 = arith.addf %select_n3A_333, %gather3A_355 : vector<16xf32>
        %broadcast_in_dim3A_357 = vector.shape_cast %xor3A_37 : vector<16xi32> to vector<16x1xi32>
        %gather3A_358 = vector.shape_cast %broadcast_in_dim3A_357 : vector<16x1xi32> to vector<16xi32>
        %gather3A_359 = tpu.dynamic_gather %select_n3A_334[%gather3A_358] in [0] : vector<16xf32>, vector<16xi32> -> vector<16xf32>
        %add3A_360 = arith.addf %select_n3A_334, %gather3A_359 : vector<16xf32>
        %broadcast_in_dim3A_361 = vector.shape_cast %xor3A_37 : vector<16xi32> to vector<16x1xi32>
        %gather3A_362 = vector.shape_cast %broadcast_in_dim3A_361 : vector<16x1xi32> to vector<16xi32>
        %gather3A_363 = tpu.dynamic_gather %select_n3A_335[%gather3A_362] in [0] : vector<16xf32>, vector<16xi32> -> vector<16xf32>
        %add3A_364 = arith.addf %select_n3A_335, %gather3A_363 : vector<16xf32>
        %broadcast_in_dim3A_365 = vector.shape_cast %xor3A_37 : vector<16xi32> to vector<16x1xi32>
        %gather3A_366 = vector.shape_cast %broadcast_in_dim3A_365 : vector<16x1xi32> to vector<16xi32>
        %gather3A_367 = tpu.dynamic_gather %select_n3A_336[%gather3A_366] in [0] : vector<16xf32>, vector<16xi32> -> vector<16xf32>
        %add3A_368 = arith.addf %select_n3A_336, %gather3A_367 : vector<16xf32>
        %select_n3A_369 = arith.select %ne3A_43, %add3A_356, %add3A_340 : vector<16xi1>, vector<16xf32>
        %select_n3A_370 = arith.select %ne3A_43, %add3A_360, %add3A_344 : vector<16xi1>, vector<16xf32>
        %select_n3A_371 = arith.select %ne3A_43, %add3A_364, %add3A_348 : vector<16xi1>, vector<16xf32>
        %select_n3A_372 = arith.select %ne3A_43, %add3A_368, %add3A_352 : vector<16xi1>, vector<16xf32>
        %broadcast_in_dim3A_373 = vector.shape_cast %xor3A_46 : vector<16xi32> to vector<16x1xi32>
        %gather3A_374 = vector.shape_cast %broadcast_in_dim3A_373 : vector<16x1xi32> to vector<16xi32>
        %gather3A_375 = tpu.dynamic_gather %select_n3A_369[%gather3A_374] in [0] : vector<16xf32>, vector<16xi32> -> vector<16xf32>
        %add3A_376 = arith.addf %select_n3A_369, %gather3A_375 : vector<16xf32>
        %broadcast_in_dim3A_377 = vector.shape_cast %xor3A_46 : vector<16xi32> to vector<16x1xi32>
        %gather3A_378 = vector.shape_cast %broadcast_in_dim3A_377 : vector<16x1xi32> to vector<16xi32>
        %gather3A_379 = tpu.dynamic_gather %select_n3A_370[%gather3A_378] in [0] : vector<16xf32>, vector<16xi32> -> vector<16xf32>
        %add3A_380 = arith.addf %select_n3A_370, %gather3A_379 : vector<16xf32>
        %broadcast_in_dim3A_381 = vector.shape_cast %xor3A_46 : vector<16xi32> to vector<16x1xi32>
        %gather3A_382 = vector.shape_cast %broadcast_in_dim3A_381 : vector<16x1xi32> to vector<16xi32>
        %gather3A_383 = tpu.dynamic_gather %select_n3A_371[%gather3A_382] in [0] : vector<16xf32>, vector<16xi32> -> vector<16xf32>
        %add3A_384 = arith.addf %select_n3A_371, %gather3A_383 : vector<16xf32>
        %broadcast_in_dim3A_385 = vector.shape_cast %xor3A_46 : vector<16xi32> to vector<16x1xi32>
        %gather3A_386 = vector.shape_cast %broadcast_in_dim3A_385 : vector<16x1xi32> to vector<16xi32>
        %gather3A_387 = tpu.dynamic_gather %select_n3A_372[%gather3A_386] in [0] : vector<16xf32>, vector<16xi32> -> vector<16xf32>
        %add3A_388 = arith.addf %select_n3A_372, %gather3A_387 : vector<16xf32>
        %select_n3A_389 = arith.select %ne3A_52, %add3A_384, %add3A_376 : vector<16xi1>, vector<16xf32>
        %select_n3A_390 = arith.select %ne3A_52, %add3A_388, %add3A_380 : vector<16xi1>, vector<16xf32>
        %broadcast_in_dim3A_391 = vector.shape_cast %xor3A_55 : vector<16xi32> to vector<16x1xi32>
        %gather3A_392 = vector.shape_cast %broadcast_in_dim3A_391 : vector<16x1xi32> to vector<16xi32>
        %gather3A_393 = tpu.dynamic_gather %select_n3A_389[%gather3A_392] in [0] : vector<16xf32>, vector<16xi32> -> vector<16xf32>
        %add3A_394 = arith.addf %select_n3A_389, %gather3A_393 : vector<16xf32>
        %broadcast_in_dim3A_395 = vector.shape_cast %xor3A_55 : vector<16xi32> to vector<16x1xi32>
        %gather3A_396 = vector.shape_cast %broadcast_in_dim3A_395 : vector<16x1xi32> to vector<16xi32>
        %gather3A_397 = tpu.dynamic_gather %select_n3A_390[%gather3A_396] in [0] : vector<16xf32>, vector<16xi32> -> vector<16xf32>
        %add3A_398 = arith.addf %select_n3A_390, %gather3A_397 : vector<16xf32>
        %select_n3A_399 = arith.select %ne3A_61, %add3A_398, %add3A_394 : vector<16xi1>, vector<16xf32>
        %mul3A_400 = arith.constant 16 : i32
        %mul3A_401 = arith.muli %scan3A_193, %mul3A_400 : i32
        %add3A_402 = vector.broadcast %mul3A_401 : i32 to vector<16xi32>
        %add3A_403 = arith.addi %iota3A, %add3A_402 : vector<16xi32>
        %gt3A = arith.cmpf ogt, %select_n3A_399, %scan3A_194 : vector<16xf32>
        %select_n3A_404 = arith.select %gt3A, %select_n3A_399, %scan3A_194 : vector<16xi1>, vector<16xf32>
        %select_n3A_405 = arith.select %gt3A, %add3A_403, %scan3A_195 : vector<16xi1>, vector<16xi32>
        scf.yield %select_n3A_404, %select_n3A_405 : vector<16xf32>, vector<16xi32>
      }
      %scan3A_118 = arith.constant 8 : i32
      %masked_sort3A = arith.constant dense<true> : vector<16xi1>
      %masked_sort3A_119, %masked_sort3A_120, %masked_sort3A_121 = tpu.sort %scan3A_117#0, %scan3A_117#1 masked %masked_sort3A {descending = true} : (vector<16xf32>, vector<16xi32>, vector<16xi1>) -> (vector<16xi1>, vector<16xf32>, vector<16xi32>)
      %broadcast_in_dim3A_122 = vector.shape_cast %and3A_25 : vector<16xi32> to vector<16x1xi32>
      %gather3A = vector.shape_cast %broadcast_in_dim3A_122 : vector<16x1xi32> to vector<16xi32>
      %gather3A_123 = tpu.dynamic_gather %masked_sort3A_120[%gather3A] in [0] : vector<16xf32>, vector<16xi32> -> vector<16xf32>
      %eq3A_124 = arith.cmpf oeq, %scan3A_117#0, %gather3A_123 : vector<16xf32>
      %broadcast_in_dim3A_125 = arith.constant 128 : i32
      %broadcast_in_dim3A_126 = vector.broadcast %broadcast_in_dim3A_125 : i32 to vector<16xi32>
      %select_n3A = arith.select %eq3A_124, %scan3A_117#1, %broadcast_in_dim3A_126 : vector<16xi1>, vector<16xi32>
      %masked_sort3A_127 = arith.constant dense<true> : vector<16xi1>
      %masked_sort3A_128 = arith.constant -2147483648 : i32
      %masked_sort3A_129 = vector.broadcast %masked_sort3A_128 : i32 to vector<16xi32>
      %masked_sort3A_130 = arith.xori %select_n3A, %masked_sort3A_129 : vector<16xi32>
      %masked_sort3A_131, %masked_sort3A_132, %masked_sort3A_133 = tpu.sort %masked_sort3A_130, %select_n3A masked %masked_sort3A_127 : (vector<16xi32>, vector<16xi32>, vector<16xi1>) -> (vector<16xi1>, vector<16xi32>, vector<16xi32>)
      %masked_sort3A_134 = arith.xori %masked_sort3A_132, %masked_sort3A_129 : vector<16xi32>
      tpu.vector_store_idx %arg7[%masked_sort3A_134], %broadcast_in_dim3A_27 masked %eq3A_23 {add = true} : memref<128xf32, #tpu.memory_space<vmem>>[vector<16xi32>], vector<16xf32>, vector<16xi1>
      %add3A_135 = arith.constant 2 : i32
      %add3A_136 = arith.addi %add3A_102, %add3A_135 : i32
      %min3A = arith.minsi %add3A_136, %sub3A_5 : i32
      %dma_start3A_137 = arith.constant 0 : i32
      %dma_start3A_138 = arith.constant 0 : i32
      %dma_start3A_139 = tpu.memref_slice %arg2[%min3A, %dma_start3A_137, %dma_start3A_138] : memref<1024x256x128xf32, #tpu.memory_space<hbm>> -> memref<1x256x128xf32, #tpu.memory_space<hbm>>
      %dma_start3A_140 = tpu.memref_squeeze %dma_start3A_139 : memref<1x256x128xf32, #tpu.memory_space<hbm>> -> memref<256x128xf32, #tpu.memory_space<hbm>>
      %dma_start3A_141 = arith.constant 0 : i32
      %dma_start3A_142 = arith.constant 0 : i32
      %dma_start3A_143 = tpu.memref_slice %arg2[%min3A, %dma_start3A_141, %dma_start3A_142] : memref<1024x256x128xf32, #tpu.memory_space<hbm>> -> memref<1x256x128xf32, #tpu.memory_space<hbm>>
      %dma_start3A_144 = tpu.memref_squeeze %dma_start3A_143 : memref<1x256x128xf32, #tpu.memory_space<hbm>> -> memref<256x128xf32, #tpu.memory_space<hbm>>
      tpu.enqueue_dma source(%dma_start3A_144 : memref<256x128xf32, #tpu.memory_space<hbm>>) target(%arg4 : memref<256x128xf32, #tpu.memory_space<vmem>>) target_semaphore(%arg8 : memref<!tpu.dma_semaphore, #tpu.memory_space<semaphore_mem>>)
      %add3A_145 = arith.constant 1 : i32
      %add3A_146 = arith.addi %add3A_102, %add3A_145 : i32
      %dma_wait3A_147 = arith.constant 0 : i32
      %dma_wait3A_148 = arith.constant 0 : i32
      %dma_wait3A_149 = tpu.memref_slice %arg2[%add3A_146, %dma_wait3A_147, %dma_wait3A_148] : memref<1024x256x128xf32, #tpu.memory_space<hbm>> -> memref<1x256x128xf32, #tpu.memory_space<hbm>>
      %dma_wait3A_150 = tpu.memref_squeeze %dma_wait3A_149 : memref<1x256x128xf32, #tpu.memory_space<hbm>> -> memref<256x128xf32, #tpu.memory_space<hbm>>
      %dma_wait3A_151 = arith.constant 0 : i32
      %dma_wait3A_152 = arith.constant 0 : i32
      %dma_wait3A_153 = tpu.memref_slice %arg2[%add3A_146, %dma_wait3A_151, %dma_wait3A_152] : memref<1024x256x128xf32, #tpu.memory_space<hbm>> -> memref<1x256x128xf32, #tpu.memory_space<hbm>>
      %dma_wait3A_154 = tpu.memref_squeeze %dma_wait3A_153 : memref<1x256x128xf32, #tpu.memory_space<hbm>> -> memref<256x128xf32, #tpu.memory_space<hbm>>
      tpu.wait_dma2 semaphore(%arg9 : memref<!tpu.dma_semaphore, #tpu.memory_space<semaphore_mem>>) src(%dma_wait3A_154 : memref<256x128xf32, #tpu.memory_space<hbm>>) dst(%arg5 : memref<256x128xf32, #tpu.memory_space<vmem>>)
      %broadcast_in_dim3A_155 = arith.constant 0xFF800000 : f32
      %broadcast_in_dim3A_156 = vector.broadcast %broadcast_in_dim3A_155 : f32 to vector<16xf32>
      %scan3A_157 = arith.constant 0 : i32
      %scan3A_158 = arith.constant 8 : i32
      %scan3A_159 = arith.addi %scan3A_157, %scan3A_158 : i32
      %scan3A_160 = arith.constant 1 : i32
      %scan3A_161:2 = scf.for %scan3A_193 = %scan3A_157 to %scan3A_159 step %scan3A_160 iter_args(%scan3A_194 = %broadcast_in_dim3A_156, %scan3A_195 = %iota3A) -> (vector<16xf32>, vector<16xi32>)  : i32 {
        %scan3A_196 = arith.constant 0 : i32
        %scan3A_197 = arith.constant 0 : i32
        %scan3A_198 = arith.constant 16 : i32
        %scan3A_199 = arith.addi %scan3A_197, %scan3A_198 : i32
        %scan3A_200 = arith.constant 1 : i32
        scf.for %scan3A_406 = %scan3A_197 to %scan3A_199 step %scan3A_200  : i32 {
          %mul3A_407 = arith.constant 16 : i32
          %mul3A_408 = arith.muli %scan3A_193, %mul3A_407 : i32
          %add3A_409 = arith.addi %mul3A_408, %scan3A_406 : i32
          %mul3A_410 = arith.constant 2 : i32
          %mul3A_411 = arith.muli %mul3A_410, %add3A_409 : i32
          %add3A_412 = arith.constant 0 : i32
          %add3A_413 = arith.addi %mul3A_411, %add3A_412 : i32
          %get3A_414 = arith.index_cast %add3A_413 : i32 to index
          %get3A_415 = arith.constant 0 : index
          %get3A_416 = tpu.vector_load %arg5[%get3A_414, %get3A_415] {strides = array<i32>} : memref<256x128xf32, #tpu.memory_space<vmem>>, vector<16xf32>,
          %mul3A_417 = arith.constant 2 : i32
          %mul3A_418 = arith.muli %mul3A_417, %add3A_409 : i32
          %add3A_419 = arith.constant 0 : i32
          %add3A_420 = arith.addi %mul3A_418, %add3A_419 : i32
          %get3A_421 = arith.index_cast %add3A_420 : i32 to index
          %get3A_422 = arith.constant 16 : index
          %get3A_423 = tpu.vector_load %arg5[%get3A_421, %get3A_422] {strides = array<i32>} : memref<256x128xf32, #tpu.memory_space<vmem>>, vector<16xf32>,
          %mul3A_424 = arith.constant 2 : i32
          %mul3A_425 = arith.muli %mul3A_424, %add3A_409 : i32
          %add3A_426 = arith.constant 0 : i32
          %add3A_427 = arith.addi %mul3A_425, %add3A_426 : i32
          %get3A_428 = arith.index_cast %add3A_427 : i32 to index
          %get3A_429 = arith.constant 32 : index
          %get3A_430 = tpu.vector_load %arg5[%get3A_428, %get3A_429] {strides = array<i32>} : memref<256x128xf32, #tpu.memory_space<vmem>>, vector<16xf32>,
          %mul3A_431 = arith.constant 2 : i32
          %mul3A_432 = arith.muli %mul3A_431, %add3A_409 : i32
          %add3A_433 = arith.constant 0 : i32
          %add3A_434 = arith.addi %mul3A_432, %add3A_433 : i32
          %get3A_435 = arith.index_cast %add3A_434 : i32 to index
          %get3A_436 = arith.constant 48 : index
          %get3A_437 = tpu.vector_load %arg5[%get3A_435, %get3A_436] {strides = array<i32>} : memref<256x128xf32, #tpu.memory_space<vmem>>, vector<16xf32>,
          %mul3A_438 = arith.constant 2 : i32
          %mul3A_439 = arith.muli %mul3A_438, %add3A_409 : i32
          %add3A_440 = arith.constant 0 : i32
          %add3A_441 = arith.addi %mul3A_439, %add3A_440 : i32
          %get3A_442 = arith.index_cast %add3A_441 : i32 to index
          %get3A_443 = arith.constant 64 : index
          %get3A_444 = tpu.vector_load %arg5[%get3A_442, %get3A_443] {strides = array<i32>} : memref<256x128xf32, #tpu.memory_space<vmem>>, vector<16xf32>,
          %mul3A_445 = arith.constant 2 : i32
          %mul3A_446 = arith.muli %mul3A_445, %add3A_409 : i32
          %add3A_447 = arith.constant 0 : i32
          %add3A_448 = arith.addi %mul3A_446, %add3A_447 : i32
          %get3A_449 = arith.index_cast %add3A_448 : i32 to index
          %get3A_450 = arith.constant 80 : index
          %get3A_451 = tpu.vector_load %arg5[%get3A_449, %get3A_450] {strides = array<i32>} : memref<256x128xf32, #tpu.memory_space<vmem>>, vector<16xf32>,
          %mul3A_452 = arith.constant 2 : i32
          %mul3A_453 = arith.muli %mul3A_452, %add3A_409 : i32
          %add3A_454 = arith.constant 0 : i32
          %add3A_455 = arith.addi %mul3A_453, %add3A_454 : i32
          %get3A_456 = arith.index_cast %add3A_455 : i32 to index
          %get3A_457 = arith.constant 96 : index
          %get3A_458 = tpu.vector_load %arg5[%get3A_456, %get3A_457] {strides = array<i32>} : memref<256x128xf32, #tpu.memory_space<vmem>>, vector<16xf32>,
          %mul3A_459 = arith.constant 2 : i32
          %mul3A_460 = arith.muli %mul3A_459, %add3A_409 : i32
          %add3A_461 = arith.constant 0 : i32
          %add3A_462 = arith.addi %mul3A_460, %add3A_461 : i32
          %get3A_463 = arith.index_cast %add3A_462 : i32 to index
          %get3A_464 = arith.constant 112 : index
          %get3A_465 = tpu.vector_load %arg5[%get3A_463, %get3A_464] {strides = array<i32>} : memref<256x128xf32, #tpu.memory_space<vmem>>, vector<16xf32>,
          %mul3A_466 = arith.constant 2 : i32
          %mul3A_467 = arith.muli %mul3A_466, %add3A_409 : i32
          %add3A_468 = arith.constant 1 : i32
          %add3A_469 = arith.addi %mul3A_467, %add3A_468 : i32
          %get3A_470 = arith.index_cast %add3A_469 : i32 to index
          %get3A_471 = arith.constant 0 : index
          %get3A_472 = tpu.vector_load %arg5[%get3A_470, %get3A_471] {strides = array<i32>} : memref<256x128xf32, #tpu.memory_space<vmem>>, vector<16xf32>,
          %mul3A_473 = arith.constant 2 : i32
          %mul3A_474 = arith.muli %mul3A_473, %add3A_409 : i32
          %add3A_475 = arith.constant 1 : i32
          %add3A_476 = arith.addi %mul3A_474, %add3A_475 : i32
          %get3A_477 = arith.index_cast %add3A_476 : i32 to index
          %get3A_478 = arith.constant 16 : index
          %get3A_479 = tpu.vector_load %arg5[%get3A_477, %get3A_478] {strides = array<i32>} : memref<256x128xf32, #tpu.memory_space<vmem>>, vector<16xf32>,
          %mul3A_480 = arith.constant 2 : i32
          %mul3A_481 = arith.muli %mul3A_480, %add3A_409 : i32
          %add3A_482 = arith.constant 1 : i32
          %add3A_483 = arith.addi %mul3A_481, %add3A_482 : i32
          %get3A_484 = arith.index_cast %add3A_483 : i32 to index
          %get3A_485 = arith.constant 32 : index
          %get3A_486 = tpu.vector_load %arg5[%get3A_484, %get3A_485] {strides = array<i32>} : memref<256x128xf32, #tpu.memory_space<vmem>>, vector<16xf32>,
          %mul3A_487 = arith.constant 2 : i32
          %mul3A_488 = arith.muli %mul3A_487, %add3A_409 : i32
          %add3A_489 = arith.constant 1 : i32
          %add3A_490 = arith.addi %mul3A_488, %add3A_489 : i32
          %get3A_491 = arith.index_cast %add3A_490 : i32 to index
          %get3A_492 = arith.constant 48 : index
          %get3A_493 = tpu.vector_load %arg5[%get3A_491, %get3A_492] {strides = array<i32>} : memref<256x128xf32, #tpu.memory_space<vmem>>, vector<16xf32>,
          %mul3A_494 = arith.constant 2 : i32
          %mul3A_495 = arith.muli %mul3A_494, %add3A_409 : i32
          %add3A_496 = arith.constant 1 : i32
          %add3A_497 = arith.addi %mul3A_495, %add3A_496 : i32
          %get3A_498 = arith.index_cast %add3A_497 : i32 to index
          %get3A_499 = arith.constant 64 : index
          %get3A_500 = tpu.vector_load %arg5[%get3A_498, %get3A_499] {strides = array<i32>} : memref<256x128xf32, #tpu.memory_space<vmem>>, vector<16xf32>,
          %mul3A_501 = arith.constant 2 : i32
          %mul3A_502 = arith.muli %mul3A_501, %add3A_409 : i32
          %add3A_503 = arith.constant 1 : i32
          %add3A_504 = arith.addi %mul3A_502, %add3A_503 : i32
          %get3A_505 = arith.index_cast %add3A_504 : i32 to index
          %get3A_506 = arith.constant 80 : index
          %get3A_507 = tpu.vector_load %arg5[%get3A_505, %get3A_506] {strides = array<i32>} : memref<256x128xf32, #tpu.memory_space<vmem>>, vector<16xf32>,
          %mul3A_508 = arith.constant 2 : i32
          %mul3A_509 = arith.muli %mul3A_508, %add3A_409 : i32
          %add3A_510 = arith.constant 1 : i32
          %add3A_511 = arith.addi %mul3A_509, %add3A_510 : i32
          %get3A_512 = arith.index_cast %add3A_511 : i32 to index
          %get3A_513 = arith.constant 96 : index
          %get3A_514 = tpu.vector_load %arg5[%get3A_512, %get3A_513] {strides = array<i32>} : memref<256x128xf32, #tpu.memory_space<vmem>>, vector<16xf32>,
          %mul3A_515 = arith.constant 2 : i32
          %mul3A_516 = arith.muli %mul3A_515, %add3A_409 : i32
          %add3A_517 = arith.constant 1 : i32
          %add3A_518 = arith.addi %mul3A_516, %add3A_517 : i32
          %get3A_519 = arith.index_cast %add3A_518 : i32 to index
          %get3A_520 = arith.constant 112 : index
          %get3A_521 = tpu.vector_load %arg5[%get3A_519, %get3A_520] {strides = array<i32>} : memref<256x128xf32, #tpu.memory_space<vmem>>, vector<16xf32>,
          %add3A_522 = arith.addf %get3A_416, %get3A_423 : vector<16xf32>
          %add3A_523 = arith.addf %get3A_430, %get3A_437 : vector<16xf32>
          %add3A_524 = arith.addf %get3A_444, %get3A_451 : vector<16xf32>
          %add3A_525 = arith.addf %get3A_458, %get3A_465 : vector<16xf32>
          %add3A_526 = arith.addf %get3A_472, %get3A_479 : vector<16xf32>
          %add3A_527 = arith.addf %get3A_486, %get3A_493 : vector<16xf32>
          %add3A_528 = arith.addf %get3A_500, %get3A_507 : vector<16xf32>
          %add3A_529 = arith.addf %get3A_514, %get3A_521 : vector<16xf32>
          %add3A_530 = arith.addf %add3A_522, %add3A_523 : vector<16xf32>
          %add3A_531 = arith.addf %add3A_524, %add3A_525 : vector<16xf32>
          %add3A_532 = arith.addf %add3A_526, %add3A_527 : vector<16xf32>
          %add3A_533 = arith.addf %add3A_528, %add3A_529 : vector<16xf32>
          %add3A_534 = arith.addf %add3A_530, %add3A_531 : vector<16xf32>
          %add3A_535 = arith.addf %add3A_532, %add3A_533 : vector<16xf32>
          %add3A_536 = arith.addf %add3A_534, %add3A_535 : vector<16xf32>
          %swap3A_537 = arith.index_cast %scan3A_406 : i32 to index
          %swap3A_538 = arith.constant 0 : index
          %swap3A_539 = tpu.vector_load %arg6[%swap3A_537, %swap3A_538] {strides = array<i32>} : memref<16x16xf32, #tpu.memory_space<vmem>>, vector<16xf32>,
          tpu.vector_store %arg6[%swap3A_537, %swap3A_538], %add3A_536 {strides = array<i32>} : memref<16x16xf32, #tpu.memory_space<vmem>>, vector<16xf32>,
        }
        %scan3A_201 = arith.constant 16 : i32
        %get3A = arith.constant 0 : i32
        %get3A_202 = arith.index_cast %get3A : i32 to index
        %get3A_203 = arith.constant 0 : index
        %get3A_204 = tpu.vector_load %arg6[%get3A_202, %get3A_203] {strides = array<i32>} : memref<16x16xf32, #tpu.memory_space<vmem>>, vector<16xf32>,
        %get3A_205 = arith.constant 1 : i32
        %get3A_206 = arith.index_cast %get3A_205 : i32 to index
        %get3A_207 = arith.constant 0 : index
        %get3A_208 = tpu.vector_load %arg6[%get3A_206, %get3A_207] {strides = array<i32>} : memref<16x16xf32, #tpu.memory_space<vmem>>, vector<16xf32>,
        %get3A_209 = arith.constant 2 : i32
        %get3A_210 = arith.index_cast %get3A_209 : i32 to index
        %get3A_211 = arith.constant 0 : index
        %get3A_212 = tpu.vector_load %arg6[%get3A_210, %get3A_211] {strides = array<i32>} : memref<16x16xf32, #tpu.memory_space<vmem>>, vector<16xf32>,
        %get3A_213 = arith.constant 3 : i32
        %get3A_214 = arith.index_cast %get3A_213 : i32 to index
        %get3A_215 = arith.constant 0 : index
        %get3A_216 = tpu.vector_load %arg6[%get3A_214, %get3A_215] {strides = array<i32>} : memref<16x16xf32, #tpu.memory_space<vmem>>, vector<16xf32>,
        %get3A_217 = arith.constant 4 : i32
        %get3A_218 = arith.index_cast %get3A_217 : i32 to index
        %get3A_219 = arith.constant 0 : index
        %get3A_220 = tpu.vector_load %arg6[%get3A_218, %get3A_219] {strides = array<i32>} : memref<16x16xf32, #tpu.memory_space<vmem>>, vector<16xf32>,
        %get3A_221 = arith.constant 5 : i32
        %get3A_222 = arith.index_cast %get3A_221 : i32 to index
        %get3A_223 = arith.constant 0 : index
        %get3A_224 = tpu.vector_load %arg6[%get3A_222, %get3A_223] {strides = array<i32>} : memref<16x16xf32, #tpu.memory_space<vmem>>, vector<16xf32>,
        %get3A_225 = arith.constant 6 : i32
        %get3A_226 = arith.index_cast %get3A_225 : i32 to index
        %get3A_227 = arith.constant 0 : index
        %get3A_228 = tpu.vector_load %arg6[%get3A_226, %get3A_227] {strides = array<i32>} : memref<16x16xf32, #tpu.memory_space<vmem>>, vector<16xf32>,
        %get3A_229 = arith.constant 7 : i32
        %get3A_230 = arith.index_cast %get3A_229 : i32 to index
        %get3A_231 = arith.constant 0 : index
        %get3A_232 = tpu.vector_load %arg6[%get3A_230, %get3A_231] {strides = array<i32>} : memref<16x16xf32, #tpu.memory_space<vmem>>, vector<16xf32>,
        %get3A_233 = arith.constant 8 : i32
        %get3A_234 = arith.index_cast %get3A_233 : i32 to index
        %get3A_235 = arith.constant 0 : index
        %get3A_236 = tpu.vector_load %arg6[%get3A_234, %get3A_235] {strides = array<i32>} : memref<16x16xf32, #tpu.memory_space<vmem>>, vector<16xf32>,
        %get3A_237 = arith.constant 9 : i32
        %get3A_238 = arith.index_cast %get3A_237 : i32 to index
        %get3A_239 = arith.constant 0 : index
        %get3A_240 = tpu.vector_load %arg6[%get3A_238, %get3A_239] {strides = array<i32>} : memref<16x16xf32, #tpu.memory_space<vmem>>, vector<16xf32>,
        %get3A_241 = arith.constant 10 : i32
        %get3A_242 = arith.index_cast %get3A_241 : i32 to index
        %get3A_243 = arith.constant 0 : index
        %get3A_244 = tpu.vector_load %arg6[%get3A_242, %get3A_243] {strides = array<i32>} : memref<16x16xf32, #tpu.memory_space<vmem>>, vector<16xf32>,
        %get3A_245 = arith.constant 11 : i32
        %get3A_246 = arith.index_cast %get3A_245 : i32 to index
        %get3A_247 = arith.constant 0 : index
        %get3A_248 = tpu.vector_load %arg6[%get3A_246, %get3A_247] {strides = array<i32>} : memref<16x16xf32, #tpu.memory_space<vmem>>, vector<16xf32>,
        %get3A_249 = arith.constant 12 : i32
        %get3A_250 = arith.index_cast %get3A_249 : i32 to index
        %get3A_251 = arith.constant 0 : index
        %get3A_252 = tpu.vector_load %arg6[%get3A_250, %get3A_251] {strides = array<i32>} : memref<16x16xf32, #tpu.memory_space<vmem>>, vector<16xf32>,
        %get3A_253 = arith.constant 13 : i32
        %get3A_254 = arith.index_cast %get3A_253 : i32 to index
        %get3A_255 = arith.constant 0 : index
        %get3A_256 = tpu.vector_load %arg6[%get3A_254, %get3A_255] {strides = array<i32>} : memref<16x16xf32, #tpu.memory_space<vmem>>, vector<16xf32>,
        %get3A_257 = arith.constant 14 : i32
        %get3A_258 = arith.index_cast %get3A_257 : i32 to index
        %get3A_259 = arith.constant 0 : index
        %get3A_260 = tpu.vector_load %arg6[%get3A_258, %get3A_259] {strides = array<i32>} : memref<16x16xf32, #tpu.memory_space<vmem>>, vector<16xf32>,
        %get3A_261 = arith.constant 15 : i32
        %get3A_262 = arith.index_cast %get3A_261 : i32 to index
        %get3A_263 = arith.constant 0 : index
        %get3A_264 = tpu.vector_load %arg6[%get3A_262, %get3A_263] {strides = array<i32>} : memref<16x16xf32, #tpu.memory_space<vmem>>, vector<16xf32>,
        %broadcast_in_dim3A_265 = vector.shape_cast %xor3A_29 : vector<16xi32> to vector<16x1xi32>
        %gather3A_266 = vector.shape_cast %broadcast_in_dim3A_265 : vector<16x1xi32> to vector<16xi32>
        %gather3A_267 = tpu.dynamic_gather %get3A_204[%gather3A_266] in [0] : vector<16xf32>, vector<16xi32> -> vector<16xf32>
        %add3A_268 = arith.addf %get3A_204, %gather3A_267 : vector<16xf32>
        %broadcast_in_dim3A_269 = vector.shape_cast %xor3A_29 : vector<16xi32> to vector<16x1xi32>
        %gather3A_270 = vector.shape_cast %broadcast_in_dim3A_269 : vector<16x1xi32> to vector<16xi32>
        %gather3A_271 = tpu.dynamic_gather %get3A_208[%gather3A_270] in [0] : vector<16xf32>, vector<16xi32> -> vector<16xf32>
        %add3A_272 = arith.addf %get3A_208, %gather3A_271 : vector<16xf32>
        %broadcast_in_dim3A_273 = vector.shape_cast %xor3A_29 : vector<16xi32> to vector<16x1xi32>
        %gather3A_274 = vector.shape_cast %broadcast_in_dim3A_273 : vector<16x1xi32> to vector<16xi32>
        %gather3A_275 = tpu.dynamic_gather %get3A_212[%gather3A_274] in [0] : vector<16xf32>, vector<16xi32> -> vector<16xf32>
        %add3A_276 = arith.addf %get3A_212, %gather3A_275 : vector<16xf32>
        %broadcast_in_dim3A_277 = vector.shape_cast %xor3A_29 : vector<16xi32> to vector<16x1xi32>
        %gather3A_278 = vector.shape_cast %broadcast_in_dim3A_277 : vector<16x1xi32> to vector<16xi32>
        %gather3A_279 = tpu.dynamic_gather %get3A_216[%gather3A_278] in [0] : vector<16xf32>, vector<16xi32> -> vector<16xf32>
        %add3A_280 = arith.addf %get3A_216, %gather3A_279 : vector<16xf32>
        %broadcast_in_dim3A_281 = vector.shape_cast %xor3A_29 : vector<16xi32> to vector<16x1xi32>
        %gather3A_282 = vector.shape_cast %broadcast_in_dim3A_281 : vector<16x1xi32> to vector<16xi32>
        %gather3A_283 = tpu.dynamic_gather %get3A_220[%gather3A_282] in [0] : vector<16xf32>, vector<16xi32> -> vector<16xf32>
        %add3A_284 = arith.addf %get3A_220, %gather3A_283 : vector<16xf32>
        %broadcast_in_dim3A_285 = vector.shape_cast %xor3A_29 : vector<16xi32> to vector<16x1xi32>
        %gather3A_286 = vector.shape_cast %broadcast_in_dim3A_285 : vector<16x1xi32> to vector<16xi32>
        %gather3A_287 = tpu.dynamic_gather %get3A_224[%gather3A_286] in [0] : vector<16xf32>, vector<16xi32> -> vector<16xf32>
        %add3A_288 = arith.addf %get3A_224, %gather3A_287 : vector<16xf32>
        %broadcast_in_dim3A_289 = vector.shape_cast %xor3A_29 : vector<16xi32> to vector<16x1xi32>
        %gather3A_290 = vector.shape_cast %broadcast_in_dim3A_289 : vector<16x1xi32> to vector<16xi32>
        %gather3A_291 = tpu.dynamic_gather %get3A_228[%gather3A_290] in [0] : vector<16xf32>, vector<16xi32> -> vector<16xf32>
        %add3A_292 = arith.addf %get3A_228, %gather3A_291 : vector<16xf32>
        %broadcast_in_dim3A_293 = vector.shape_cast %xor3A_29 : vector<16xi32> to vector<16x1xi32>
        %gather3A_294 = vector.shape_cast %broadcast_in_dim3A_293 : vector<16x1xi32> to vector<16xi32>
        %gather3A_295 = tpu.dynamic_gather %get3A_232[%gather3A_294] in [0] : vector<16xf32>, vector<16xi32> -> vector<16xf32>
        %add3A_296 = arith.addf %get3A_232, %gather3A_295 : vector<16xf32>
        %broadcast_in_dim3A_297 = vector.shape_cast %xor3A_29 : vector<16xi32> to vector<16x1xi32>
        %gather3A_298 = vector.shape_cast %broadcast_in_dim3A_297 : vector<16x1xi32> to vector<16xi32>
        %gather3A_299 = tpu.dynamic_gather %get3A_236[%gather3A_298] in [0] : vector<16xf32>, vector<16xi32> -> vector<16xf32>
        %add3A_300 = arith.addf %get3A_236, %gather3A_299 : vector<16xf32>
        %broadcast_in_dim3A_301 = vector.shape_cast %xor3A_29 : vector<16xi32> to vector<16x1xi32>
        %gather3A_302 = vector.shape_cast %broadcast_in_dim3A_301 : vector<16x1xi32> to vector<16xi32>
        %gather3A_303 = tpu.dynamic_gather %get3A_240[%gather3A_302] in [0] : vector<16xf32>, vector<16xi32> -> vector<16xf32>
        %add3A_304 = arith.addf %get3A_240, %gather3A_303 : vector<16xf32>
        %broadcast_in_dim3A_305 = vector.shape_cast %xor3A_29 : vector<16xi32> to vector<16x1xi32>
        %gather3A_306 = vector.shape_cast %broadcast_in_dim3A_305 : vector<16x1xi32> to vector<16xi32>
        %gather3A_307 = tpu.dynamic_gather %get3A_244[%gather3A_306] in [0] : vector<16xf32>, vector<16xi32> -> vector<16xf32>
        %add3A_308 = arith.addf %get3A_244, %gather3A_307 : vector<16xf32>
        %broadcast_in_dim3A_309 = vector.shape_cast %xor3A_29 : vector<16xi32> to vector<16x1xi32>
        %gather3A_310 = vector.shape_cast %broadcast_in_dim3A_309 : vector<16x1xi32> to vector<16xi32>
        %gather3A_311 = tpu.dynamic_gather %get3A_248[%gather3A_310] in [0] : vector<16xf32>, vector<16xi32> -> vector<16xf32>
        %add3A_312 = arith.addf %get3A_248, %gather3A_311 : vector<16xf32>
        %broadcast_in_dim3A_313 = vector.shape_cast %xor3A_29 : vector<16xi32> to vector<16x1xi32>
        %gather3A_314 = vector.shape_cast %broadcast_in_dim3A_313 : vector<16x1xi32> to vector<16xi32>
        %gather3A_315 = tpu.dynamic_gather %get3A_252[%gather3A_314] in [0] : vector<16xf32>, vector<16xi32> -> vector<16xf32>
        %add3A_316 = arith.addf %get3A_252, %gather3A_315 : vector<16xf32>
        %broadcast_in_dim3A_317 = vector.shape_cast %xor3A_29 : vector<16xi32> to vector<16x1xi32>
        %gather3A_318 = vector.shape_cast %broadcast_in_dim3A_317 : vector<16x1xi32> to vector<16xi32>
        %gather3A_319 = tpu.dynamic_gather %get3A_256[%gather3A_318] in [0] : vector<16xf32>, vector<16xi32> -> vector<16xf32>
        %add3A_320 = arith.addf %get3A_256, %gather3A_319 : vector<16xf32>
        %broadcast_in_dim3A_321 = vector.shape_cast %xor3A_29 : vector<16xi32> to vector<16x1xi32>
        %gather3A_322 = vector.shape_cast %broadcast_in_dim3A_321 : vector<16x1xi32> to vector<16xi32>
        %gather3A_323 = tpu.dynamic_gather %get3A_260[%gather3A_322] in [0] : vector<16xf32>, vector<16xi32> -> vector<16xf32>
        %add3A_324 = arith.addf %get3A_260, %gather3A_323 : vector<16xf32>
        %broadcast_in_dim3A_325 = vector.shape_cast %xor3A_29 : vector<16xi32> to vector<16x1xi32>
        %gather3A_326 = vector.shape_cast %broadcast_in_dim3A_325 : vector<16x1xi32> to vector<16xi32>
        %gather3A_327 = tpu.dynamic_gather %get3A_264[%gather3A_326] in [0] : vector<16xf32>, vector<16xi32> -> vector<16xf32>
        %add3A_328 = arith.addf %get3A_264, %gather3A_327 : vector<16xf32>
        %select_n3A_329 = arith.select %ne3A_34, %add3A_300, %add3A_268 : vector<16xi1>, vector<16xf32>
        %select_n3A_330 = arith.select %ne3A_34, %add3A_304, %add3A_272 : vector<16xi1>, vector<16xf32>
        %select_n3A_331 = arith.select %ne3A_34, %add3A_308, %add3A_276 : vector<16xi1>, vector<16xf32>
        %select_n3A_332 = arith.select %ne3A_34, %add3A_312, %add3A_280 : vector<16xi1>, vector<16xf32>
        %select_n3A_333 = arith.select %ne3A_34, %add3A_316, %add3A_284 : vector<16xi1>, vector<16xf32>
        %select_n3A_334 = arith.select %ne3A_34, %add3A_320, %add3A_288 : vector<16xi1>, vector<16xf32>
        %select_n3A_335 = arith.select %ne3A_34, %add3A_324, %add3A_292 : vector<16xi1>, vector<16xf32>
        %select_n3A_336 = arith.select %ne3A_34, %add3A_328, %add3A_296 : vector<16xi1>, vector<16xf32>
        %broadcast_in_dim3A_337 = vector.shape_cast %xor3A_37 : vector<16xi32> to vector<16x1xi32>
        %gather3A_338 = vector.shape_cast %broadcast_in_dim3A_337 : vector<16x1xi32> to vector<16xi32>
        %gather3A_339 = tpu.dynamic_gather %select_n3A_329[%gather3A_338] in [0] : vector<16xf32>, vector<16xi32> -> vector<16xf32>
        %add3A_340 = arith.addf %select_n3A_329, %gather3A_339 : vector<16xf32>
        %broadcast_in_dim3A_341 = vector.shape_cast %xor3A_37 : vector<16xi32> to vector<16x1xi32>
        %gather3A_342 = vector.shape_cast %broadcast_in_dim3A_341 : vector<16x1xi32> to vector<16xi32>
        %gather3A_343 = tpu.dynamic_gather %select_n3A_330[%gather3A_342] in [0] : vector<16xf32>, vector<16xi32> -> vector<16xf32>
        %add3A_344 = arith.addf %select_n3A_330, %gather3A_343 : vector<16xf32>
        %broadcast_in_dim3A_345 = vector.shape_cast %xor3A_37 : vector<16xi32> to vector<16x1xi32>
        %gather3A_346 = vector.shape_cast %broadcast_in_dim3A_345 : vector<16x1xi32> to vector<16xi32>
        %gather3A_347 = tpu.dynamic_gather %select_n3A_331[%gather3A_346] in [0] : vector<16xf32>, vector<16xi32> -> vector<16xf32>
        %add3A_348 = arith.addf %select_n3A_331, %gather3A_347 : vector<16xf32>
        %broadcast_in_dim3A_349 = vector.shape_cast %xor3A_37 : vector<16xi32> to vector<16x1xi32>
        %gather3A_350 = vector.shape_cast %broadcast_in_dim3A_349 : vector<16x1xi32> to vector<16xi32>
        %gather3A_351 = tpu.dynamic_gather %select_n3A_332[%gather3A_350] in [0] : vector<16xf32>, vector<16xi32> -> vector<16xf32>
        %add3A_352 = arith.addf %select_n3A_332, %gather3A_351 : vector<16xf32>
        %broadcast_in_dim3A_353 = vector.shape_cast %xor3A_37 : vector<16xi32> to vector<16x1xi32>
        %gather3A_354 = vector.shape_cast %broadcast_in_dim3A_353 : vector<16x1xi32> to vector<16xi32>
        %gather3A_355 = tpu.dynamic_gather %select_n3A_333[%gather3A_354] in [0] : vector<16xf32>, vector<16xi32> -> vector<16xf32>
        %add3A_356 = arith.addf %select_n3A_333, %gather3A_355 : vector<16xf32>
        %broadcast_in_dim3A_357 = vector.shape_cast %xor3A_37 : vector<16xi32> to vector<16x1xi32>
        %gather3A_358 = vector.shape_cast %broadcast_in_dim3A_357 : vector<16x1xi32> to vector<16xi32>
        %gather3A_359 = tpu.dynamic_gather %select_n3A_334[%gather3A_358] in [0] : vector<16xf32>, vector<16xi32> -> vector<16xf32>
        %add3A_360 = arith.addf %select_n3A_334, %gather3A_359 : vector<16xf32>
        %broadcast_in_dim3A_361 = vector.shape_cast %xor3A_37 : vector<16xi32> to vector<16x1xi32>
        %gather3A_362 = vector.shape_cast %broadcast_in_dim3A_361 : vector<16x1xi32> to vector<16xi32>
        %gather3A_363 = tpu.dynamic_gather %select_n3A_335[%gather3A_362] in [0] : vector<16xf32>, vector<16xi32> -> vector<16xf32>
        %add3A_364 = arith.addf %select_n3A_335, %gather3A_363 : vector<16xf32>
        %broadcast_in_dim3A_365 = vector.shape_cast %xor3A_37 : vector<16xi32> to vector<16x1xi32>
        %gather3A_366 = vector.shape_cast %broadcast_in_dim3A_365 : vector<16x1xi32> to vector<16xi32>
        %gather3A_367 = tpu.dynamic_gather %select_n3A_336[%gather3A_366] in [0] : vector<16xf32>, vector<16xi32> -> vector<16xf32>
        %add3A_368 = arith.addf %select_n3A_336, %gather3A_367 : vector<16xf32>
        %select_n3A_369 = arith.select %ne3A_43, %add3A_356, %add3A_340 : vector<16xi1>, vector<16xf32>
        %select_n3A_370 = arith.select %ne3A_43, %add3A_360, %add3A_344 : vector<16xi1>, vector<16xf32>
        %select_n3A_371 = arith.select %ne3A_43, %add3A_364, %add3A_348 : vector<16xi1>, vector<16xf32>
        %select_n3A_372 = arith.select %ne3A_43, %add3A_368, %add3A_352 : vector<16xi1>, vector<16xf32>
        %broadcast_in_dim3A_373 = vector.shape_cast %xor3A_46 : vector<16xi32> to vector<16x1xi32>
        %gather3A_374 = vector.shape_cast %broadcast_in_dim3A_373 : vector<16x1xi32> to vector<16xi32>
        %gather3A_375 = tpu.dynamic_gather %select_n3A_369[%gather3A_374] in [0] : vector<16xf32>, vector<16xi32> -> vector<16xf32>
        %add3A_376 = arith.addf %select_n3A_369, %gather3A_375 : vector<16xf32>
        %broadcast_in_dim3A_377 = vector.shape_cast %xor3A_46 : vector<16xi32> to vector<16x1xi32>
        %gather3A_378 = vector.shape_cast %broadcast_in_dim3A_377 : vector<16x1xi32> to vector<16xi32>
        %gather3A_379 = tpu.dynamic_gather %select_n3A_370[%gather3A_378] in [0] : vector<16xf32>, vector<16xi32> -> vector<16xf32>
        %add3A_380 = arith.addf %select_n3A_370, %gather3A_379 : vector<16xf32>
        %broadcast_in_dim3A_381 = vector.shape_cast %xor3A_46 : vector<16xi32> to vector<16x1xi32>
        %gather3A_382 = vector.shape_cast %broadcast_in_dim3A_381 : vector<16x1xi32> to vector<16xi32>
        %gather3A_383 = tpu.dynamic_gather %select_n3A_371[%gather3A_382] in [0] : vector<16xf32>, vector<16xi32> -> vector<16xf32>
        %add3A_384 = arith.addf %select_n3A_371, %gather3A_383 : vector<16xf32>
        %broadcast_in_dim3A_385 = vector.shape_cast %xor3A_46 : vector<16xi32> to vector<16x1xi32>
        %gather3A_386 = vector.shape_cast %broadcast_in_dim3A_385 : vector<16x1xi32> to vector<16xi32>
        %gather3A_387 = tpu.dynamic_gather %select_n3A_372[%gather3A_386] in [0] : vector<16xf32>, vector<16xi32> -> vector<16xf32>
        %add3A_388 = arith.addf %select_n3A_372, %gather3A_387 : vector<16xf32>
        %select_n3A_389 = arith.select %ne3A_52, %add3A_384, %add3A_376 : vector<16xi1>, vector<16xf32>
        %select_n3A_390 = arith.select %ne3A_52, %add3A_388, %add3A_380 : vector<16xi1>, vector<16xf32>
        %broadcast_in_dim3A_391 = vector.shape_cast %xor3A_55 : vector<16xi32> to vector<16x1xi32>
        %gather3A_392 = vector.shape_cast %broadcast_in_dim3A_391 : vector<16x1xi32> to vector<16xi32>
        %gather3A_393 = tpu.dynamic_gather %select_n3A_389[%gather3A_392] in [0] : vector<16xf32>, vector<16xi32> -> vector<16xf32>
        %add3A_394 = arith.addf %select_n3A_389, %gather3A_393 : vector<16xf32>
        %broadcast_in_dim3A_395 = vector.shape_cast %xor3A_55 : vector<16xi32> to vector<16x1xi32>
        %gather3A_396 = vector.shape_cast %broadcast_in_dim3A_395 : vector<16x1xi32> to vector<16xi32>
        %gather3A_397 = tpu.dynamic_gather %select_n3A_390[%gather3A_396] in [0] : vector<16xf32>, vector<16xi32> -> vector<16xf32>
        %add3A_398 = arith.addf %select_n3A_390, %gather3A_397 : vector<16xf32>
        %select_n3A_399 = arith.select %ne3A_61, %add3A_398, %add3A_394 : vector<16xi1>, vector<16xf32>
        %mul3A_400 = arith.constant 16 : i32
        %mul3A_401 = arith.muli %scan3A_193, %mul3A_400 : i32
        %add3A_402 = vector.broadcast %mul3A_401 : i32 to vector<16xi32>
        %add3A_403 = arith.addi %iota3A, %add3A_402 : vector<16xi32>
        %gt3A = arith.cmpf ogt, %select_n3A_399, %scan3A_194 : vector<16xf32>
        %select_n3A_404 = arith.select %gt3A, %select_n3A_399, %scan3A_194 : vector<16xi1>, vector<16xf32>
        %select_n3A_405 = arith.select %gt3A, %add3A_403, %scan3A_195 : vector<16xi1>, vector<16xi32>
        scf.yield %select_n3A_404, %select_n3A_405 : vector<16xf32>, vector<16xi32>
      }
      %scan3A_162 = arith.constant 8 : i32
      %masked_sort3A_163 = arith.constant dense<true> : vector<16xi1>
      %masked_sort3A_164, %masked_sort3A_165, %masked_sort3A_166 = tpu.sort %scan3A_161#0, %scan3A_161#1 masked %masked_sort3A_163 {descending = true} : (vector<16xf32>, vector<16xi32>, vector<16xi1>) -> (vector<16xi1>, vector<16xf32>, vector<16xi32>)
      %broadcast_in_dim3A_167 = vector.shape_cast %and3A_25 : vector<16xi32> to vector<16x1xi32>
      %gather3A_168 = vector.shape_cast %broadcast_in_dim3A_167 : vector<16x1xi32> to vector<16xi32>
      %gather3A_169 = tpu.dynamic_gather %masked_sort3A_165[%gather3A_168] in [0] : vector<16xf32>, vector<16xi32> -> vector<16xf32>
      %eq3A_170 = arith.cmpf oeq, %scan3A_161#0, %gather3A_169 : vector<16xf32>
      %broadcast_in_dim3A_171 = arith.constant 128 : i32
      %broadcast_in_dim3A_172 = vector.broadcast %broadcast_in_dim3A_171 : i32 to vector<16xi32>
      %select_n3A_173 = arith.select %eq3A_170, %scan3A_161#1, %broadcast_in_dim3A_172 : vector<16xi1>, vector<16xi32>
      %masked_sort3A_174 = arith.constant dense<true> : vector<16xi1>
      %masked_sort3A_175 = arith.constant -2147483648 : i32
      %masked_sort3A_176 = vector.broadcast %masked_sort3A_175 : i32 to vector<16xi32>
      %masked_sort3A_177 = arith.xori %select_n3A_173, %masked_sort3A_176 : vector<16xi32>
      %masked_sort3A_178, %masked_sort3A_179, %masked_sort3A_180 = tpu.sort %masked_sort3A_177, %select_n3A_173 masked %masked_sort3A_174 : (vector<16xi32>, vector<16xi32>, vector<16xi1>) -> (vector<16xi1>, vector<16xi32>, vector<16xi32>)
      %masked_sort3A_181 = arith.xori %masked_sort3A_179, %masked_sort3A_176 : vector<16xi32>
      tpu.vector_store_idx %arg7[%masked_sort3A_181], %broadcast_in_dim3A_27 masked %eq3A_23 {add = true} : memref<128xf32, #tpu.memory_space<vmem>>[vector<16xi32>], vector<16xf32>, vector<16xi1>
      %add3A_182 = arith.constant 3 : i32
      %add3A_183 = arith.addi %add3A_102, %add3A_182 : i32
      %min3A_184 = arith.minsi %add3A_183, %sub3A_5 : i32
      %dma_start3A_185 = arith.constant 0 : i32
      %dma_start3A_186 = arith.constant 0 : i32
      %dma_start3A_187 = tpu.memref_slice %arg2[%min3A_184, %dma_start3A_185, %dma_start3A_186] : memref<1024x256x128xf32, #tpu.memory_space<hbm>> -> memref<1x256x128xf32, #tpu.memory_space<hbm>>
      %dma_start3A_188 = tpu.memref_squeeze %dma_start3A_187 : memref<1x256x128xf32, #tpu.memory_space<hbm>> -> memref<256x128xf32, #tpu.memory_space<hbm>>
      %dma_start3A_189 = arith.constant 0 : i32
      %dma_start3A_190 = arith.constant 0 : i32
      %dma_start3A_191 = tpu.memref_slice %arg2[%min3A_184, %dma_start3A_189, %dma_start3A_190] : memref<1024x256x128xf32, #tpu.memory_space<hbm>> -> memref<1x256x128xf32, #tpu.memory_space<hbm>>
      %dma_start3A_192 = tpu.memref_squeeze %dma_start3A_191 : memref<1x256x128xf32, #tpu.memory_space<hbm>> -> memref<256x128xf32, #tpu.memory_space<hbm>>
      tpu.enqueue_dma source(%dma_start3A_192 : memref<256x128xf32, #tpu.memory_space<hbm>>) target(%arg5 : memref<256x128xf32, #tpu.memory_space<vmem>>) target_semaphore(%arg9 : memref<!tpu.dma_semaphore, #tpu.memory_space<semaphore_mem>>)
    }
    %scan3A_83 = arith.constant 16 : i32
    %dma_wait3A = arith.constant 0 : i32
    %dma_wait3A_84 = arith.constant 0 : i32
    %dma_wait3A_85 = tpu.memref_slice %arg2[%sub3A_5, %dma_wait3A, %dma_wait3A_84] : memref<1024x256x128xf32, #tpu.memory_space<hbm>> -> memref<1x256x128xf32, #tpu.memory_space<hbm>>
    %dma_wait3A_86 = tpu.memref_squeeze %dma_wait3A_85 : memref<1x256x128xf32, #tpu.memory_space<hbm>> -> memref<256x128xf32, #tpu.memory_space<hbm>>
    %dma_wait3A_87 = arith.constant 0 : i32
    %dma_wait3A_88 = arith.constant 0 : i32
    %dma_wait3A_89 = tpu.memref_slice %arg2[%sub3A_5, %dma_wait3A_87, %dma_wait3A_88] : memref<1024x256x128xf32, #tpu.memory_space<hbm>> -> memref<1x256x128xf32, #tpu.memory_space<hbm>>
    %dma_wait3A_90 = tpu.memref_squeeze %dma_wait3A_89 : memref<1x256x128xf32, #tpu.memory_space<hbm>> -> memref<256x128xf32, #tpu.memory_space<hbm>>
    tpu.wait_dma2 semaphore(%arg8 : memref<!tpu.dma_semaphore, #tpu.memory_space<semaphore_mem>>) src(%dma_wait3A_90 : memref<256x128xf32, #tpu.memory_space<hbm>>) dst(%arg4 : memref<256x128xf32, #tpu.memory_space<vmem>>)
    %dma_wait3A_91 = arith.constant 0 : i32
    %dma_wait3A_92 = arith.constant 0 : i32
    %dma_wait3A_93 = tpu.memref_slice %arg2[%sub3A_5, %dma_wait3A_91, %dma_wait3A_92] : memref<1024x256x128xf32, #tpu.memory_space<hbm>> -> memref<1x256x128xf32, #tpu.memory_space<hbm>>
    %dma_wait3A_94 = tpu.memref_squeeze %dma_wait3A_93 : memref<1x256x128xf32, #tpu.memory_space<hbm>> -> memref<256x128xf32, #tpu.memory_space<hbm>>
    %dma_wait3A_95 = arith.constant 0 : i32
    %dma_wait3A_96 = arith.constant 0 : i32
    %dma_wait3A_97 = tpu.memref_slice %arg2[%sub3A_5, %dma_wait3A_95, %dma_wait3A_96] : memref<1024x256x128xf32, #tpu.memory_space<hbm>> -> memref<1x256x128xf32, #tpu.memory_space<hbm>>
    %dma_wait3A_98 = tpu.memref_squeeze %dma_wait3A_97 : memref<1x256x128xf32, #tpu.memory_space<hbm>> -> memref<256x128xf32, #tpu.memory_space<hbm>>
    tpu.wait_dma2 semaphore(%arg9 : memref<!tpu.dma_semaphore, #tpu.memory_space<semaphore_mem>>) src(%dma_wait3A_98 : memref<256x128xf32, #tpu.memory_space<hbm>>) dst(%arg5 : memref<256x128xf32, #tpu.memory_space<vmem>>)
    "tpu.region"() ({
      %run_scoped3A = tpu.sem_alloc : memref<!tpu.dma_semaphore, #tpu.memory_space<semaphore_mem>>
      %dma_start3A_99 = arith.constant 0 : i32
      %dma_start3A_100 = tpu.memref_slice %arg3[%add3A, %dma_start3A_99] : memref<32x128xf32, #tpu.memory_space<hbm>> -> memref<1x128xf32, #tpu.memory_space<hbm>>
      %dma_start3A_101 = tpu.memref_squeeze %dma_start3A_100 : memref<1x128xf32, #tpu.memory_space<hbm>> -> memref<128xf32, #tpu.memory_space<hbm>>
      %dma_start3A_102 = arith.constant 0 : i32
      %dma_start3A_103 = tpu.memref_slice %arg3[%add3A, %dma_start3A_102] : memref<32x128xf32, #tpu.memory_space<hbm>> -> memref<1x128xf32, #tpu.memory_space<hbm>>
      %dma_start3A_104 = tpu.memref_squeeze %dma_start3A_103 : memref<1x128xf32, #tpu.memory_space<hbm>> -> memref<128xf32, #tpu.memory_space<hbm>>
      tpu.enqueue_dma source(%arg7 : memref<128xf32, #tpu.memory_space<vmem>>) target(%dma_start3A_104 : memref<128xf32, #tpu.memory_space<hbm>>) target_semaphore(%run_scoped3A : memref<!tpu.dma_semaphore, #tpu.memory_space<semaphore_mem>>)
      %dma_wait3A_105 = arith.constant 0 : i32
      %dma_wait3A_106 = tpu.memref_slice %arg3[%add3A, %dma_wait3A_105] : memref<32x128xf32, #tpu.memory_space<hbm>> -> memref<1x128xf32, #tpu.memory_space<hbm>>
      %dma_wait3A_107 = tpu.memref_squeeze %dma_wait3A_106 : memref<1x128xf32, #tpu.memory_space<hbm>> -> memref<128xf32, #tpu.memory_space<hbm>>
      %dma_wait3A_108 = arith.constant 0 : i32
      %dma_wait3A_109 = tpu.memref_slice %arg3[%add3A, %dma_wait3A_108] : memref<32x128xf32, #tpu.memory_space<hbm>> -> memref<1x128xf32, #tpu.memory_space<hbm>>
      %dma_wait3A_110 = tpu.memref_squeeze %dma_wait3A_109 : memref<1x128xf32, #tpu.memory_space<hbm>> -> memref<128xf32, #tpu.memory_space<hbm>>
      tpu.wait_dma2 semaphore(%run_scoped3A : memref<!tpu.dma_semaphore, #tpu.memory_space<semaphore_mem>>) src(%arg7 : memref<128xf32, #tpu.memory_space<vmem>>) dst(%dma_wait3A_110 : memref<128xf32, #tpu.memory_space<hbm>>)
      tpu.yield
    }) : () -> ()
    return
  }
}

module attributes {stable_mosaic.version = 14 : i64} {
  func.func @_finish_body(%arg0: memref<32x128xf32, #tpu.memory_space<vmem>>, %arg1: memref<128xf32, #tpu.memory_space<vmem>>, %arg2: memref<128xf32, #tpu.memory_space<vmem>>) attributes {dimension_semantics = [], scalar_prefetch = 0 : i64, scratch_operands = 0 : i64, tpu.core_type = #tpu.core_type<tc>} {
    %get3A = arith.constant 0 : index
    %get3A_0 = arith.constant 0 : index
    %get3A_1 = vector.load %arg0[%get3A, %get3A_0] : memref<32x128xf32, #tpu.memory_space<vmem>>, vector<32x128xf32>
    %reduce_sum3A = arith.constant dense<0.000000e+00> : vector<128xf32>
    %reduce_sum3A_2 = vector.multi_reduction <add>, %get3A_1, %reduce_sum3A [0] : vector<32x128xf32> to vector<128xf32>
    %mul3A = arith.constant 9.765625E-4 : f32
    %mul3A_3 = vector.broadcast %mul3A : f32 to vector<128xf32>
    %mul3A_4 = arith.mulf %reduce_sum3A_2, %mul3A_3 : vector<128xf32>
    %mul3A_5 = arith.constant 0.999998271 : f32
    %mul3A_6 = vector.broadcast %mul3A_5 : f32 to vector<128xf32>
    %mul3A_7 = arith.mulf %mul3A_6, %mul3A_4 : vector<128xf32>
    %mul3A_8 = arith.constant 1.70977501E-6 : f32
    %mul3A_9 = vector.broadcast %mul3A_8 : f32 to vector<128xf32>
    %mul3A_10 = arith.mulf %mul3A_9, %mul3A_4 : vector<128xf32>
    %add3A = arith.addf %mul3A_7, %mul3A_10 : vector<128xf32>
    %swap3A = arith.constant 0 : index
    %swap3A_11 = vector.load %arg1[%swap3A] : memref<128xf32, #tpu.memory_space<vmem>>, vector<128xf32>
    tpu.vector_store %arg1[%swap3A], %add3A {strides = array<i32>} : memref<128xf32, #tpu.memory_space<vmem>>, vector<128xf32>,
    %broadcast_in_dim3A = arith.constant 1.000000e+00 : f32
    %broadcast_in_dim3A_12 = vector.broadcast %broadcast_in_dim3A : f32 to vector<128xf32>
    %swap3A_13 = arith.constant 0 : index
    %swap3A_14 = vector.load %arg2[%swap3A_13] : memref<128xf32, #tpu.memory_space<vmem>>, vector<128xf32>
    tpu.vector_store %arg2[%swap3A_13], %broadcast_in_dim3A_12 {strides = array<i32>} : memref<128xf32, #tpu.memory_space<vmem>>, vector<128xf32>,
    return
  }
}

</mosaic_0001>

<sc_bundles>
// kernel: kernel.4.cloned.1.call-start
scs
__scs_entry_jumppad:
0x0: {  	(pc) =	sbr.rel $0x88, $3  }
0x1: {  	(tag) =	ssettag $0x0;
	lr =	simm.s32 $0x1  }
0x2: {  	[smem:$0x3FA0] =	sst lr;
	_ =	strace $0xD0000000  }
0x3: {  	_ = 	snop  }
0x4: {  	_ = 	snop  }
0x5: {  	_ = 	snop  }
0x6: {  	_ = 	snop  }
0x7: {  	_ = 	snop  }
__scs_overlays_trampoline_lowered:
0x8: {  	[smem:$0x3FAF] =	sst s0  }
0x9: {  	[smem:$0x3FB0] =	sst s1  }
0xa: {  	[smem:$0x3FB1] =	sst s2  }
0xb: {  	[smem:$0x3FB2] =	sst s3  }
0xc: {  	[smem:$0x3FB3] =	sst s4  }
0xd: {  	[smem:$0x3FB4] =	sst s5  }
0xe: {  	[smem:$0x3FB5] =	sst s6  }
0xf: {  	[smem:$0x3FB6] =	sst s7  }
0x10: {  	[smem:$0x3FB7] =	sst s8  }
0x11: {  	[smem:$0x3FB8] =	sst s9;
	s0 =	simm.s32 @!p0 $0x0  }
0x12: {  	s1 =	sld [smem:$0x3F9E];
	s0 =	simm.s32 @p0 $0x1  }
0x13: {  	[smem:$0x3FB9] =	sst s0;
	s0 =	simm.s32 @!p1 $0x0  }
0x14: {  	s2 =	sld [smem:$0x3F9D];
	s0 =	simm.s32 @p1 $0x1  }
0x15: {  	[smem:$0x3FBA] =	sst s0;
	s0 =	simm.s32 @!p2 $0x0  }
0x16: {  	s3 =	sld [smem:$0x3FDB];
	s0 =	simm.s32 @p2 $0x1  }
0x17: {  	s4 =	simm.s32 $0x1BF5;
	[smem:$0x3FBC] =	sst s0  }
0x18: {  	s0 =	sld [smem:$0x3F9F];
	_ =	swait.ge [sflag:s4], $0x0  }
0x19: {  	s7 =	sld [smem:$0x3FA0]  }
0x1a: {  	s8 =	sadd.s32 $0xFFFFE003, lr  }
0x1b: {  	s9 =	sadd.s32 $0xFFFFFEF7, lr;
	s5 =	simm.s32 $0xFFFFFFFF;
	p2 =	slt.u32 s8, $0xFFFFF086  }
0x1c: {  	p1 =	slt.u32 s9, $0xF7A;
	s5 =	simm.s32 @!p2 $0x0  }
0x1d: {  	s5 =	simm.s32 @p1 $0x1;
	p0 =	seq.s32 s7, s2  }
0x1e: {  	s7 =	smul.u32 @!p0 $0xF7A, s2;
	p2 =	seq.s32 @!p0 s5, $0x0  }
0x1f: {  	s9 =	smul.u32 $0xF7A, s1;
	s8 =	simm.s32 @!p0 $0x1BF5;
	p2 =	por !p2, p0  }
0x20: {  	[sflag:s8] =	ssyncset.s32 @!p0 $0xFFFFF086;
	s6 =	sadd.s32 @!p0 s3, s7;
	s7 =	simm.s32 @!p0 $0x108  }
0x21: {  	s3 =	sadd.s32 s3, s9;
	s6 =	sadd.s32 @!p0 $0x88, s6;
	s7 =	simm.s32 @p2 $0x1082  }
0x22: {  	[simem:s7], [sflag:s8] =	dma.local @!p0 [hbm:s6], $0xF7A  }
0x23: {  	s9 =	sor.u32 $0xD0000000, s2;
	s6 =	simm.s32 $0x108;
	_ =	swait.ge @!p0 [sflag:s8], $0x0  }
0x24: {  	s3 =	sadd.s32 $0x88, s3;
	s6 =	simm.s32 @!p1 $0x1082;
	[sflag:s4] =	ssyncset.s32 $0xFFFFF086  }
0x25: {  	[simem:s6], [sflag:s4] =	dma.local [hbm:s3], $0xF7A  }
0x26: {  	[smem:$0x3FA0] =	sst s1;
	(tag) =	ssettag s2;
	_ =	strace s9  }
0x27: {  	s1 =	sld [smem:$0x3FB0]  }
0x28: {  	s2 =	sld [smem:$0x3FB1]  }
0x29: {  	s4 =	sld [smem:$0x3FB3]  }
0x2a: {  	p0 =	seq.s32 s5, $0x0;
	s5 =	sld [smem:$0x3FB4]  }
0x2b: {  	s6 =	sld [smem:$0x3FB5]  }
0x2c: {  	s7 =	sld [smem:$0x3FB6]  }
0x2d: {  	s3 =	simm.s32 $0x108;
	s8 =	sld [smem:$0x3FB7]  }
0x2e: {  	s3 =	simm.s32 @!p0 $0x1082;
	s9 =	sld [smem:$0x3FB8]  }
0x2f: {  	lr =	sadd.s32 s0, s3;
	s0 =	sld [smem:$0x3FAF]  }
0x30: {  	s3 =	sld [smem:$0x3FB2]  }
0x31: {  	[smem:$0x3FBB] =	sst s10  }
0x32: {  	s10 =	sld [smem:$0x3FB9];
	_ =	sdelay $0x3  }
0x33: {  	p0 =	seq.s32 s10, $0x1;
	s10 =	sld [smem:$0x3FBB];
	_ =	sdelay $0x3  }
0x34: {  	[smem:$0x3FBB] =	sst s10  }
0x35: {  	s10 =	sld [smem:$0x3FBA];
	_ =	sdelay $0x3  }
0x36: {  	p1 =	seq.s32 s10, $0x1;
	s10 =	sld [smem:$0x3FBB];
	_ =	sdelay $0x3  }
0x37: {  	[smem:$0x3FBB] =	sst s10  }
0x38: {  	s10 =	sld [smem:$0x3FBC]  }
0x39: {  	_ = 	snop;
	(pc) =	sbr.ind lr, $3  }
0x3a: {  	_ = 	snop  }
0x3b: {  	_ = 	snop  }
0x3c: {  	p2 =	seq.s32 s10, $0x1;
	s10 =	sld [smem:$0x3FBB]  }
0x3d: {  	_ =	shalt  }
0x3e: {  	_ =	shalt  }
0x3f: {  	_ =	shalt  }
0x40: {  	_ =	shalt  }
0x41: {  	_ =	shalt  }
0x42: {  	_ =	shalt  }
0x43: {  	_ =	shalt  }
0x44: {  	_ =	shalt  }
0x45: {  	_ =	shalt  }
0x46: {  	_ =	shalt  }
0x47: {  	_ =	shalt  }
0x48: {  	_ =	shalt  }
0x49: {  	_ =	shalt  }
0x4a: {  	_ =	shalt  }
0x4b: {  	_ =	shalt  }
0x4c: {  	_ =	shalt  }
0x4d: {  	_ =	shalt  }
0x4e: {  	_ =	shalt  }
0x4f: {  	_ =	shalt  }
0x50: {  	_ =	shalt  }
0x51: {  	_ =	shalt  }
0x52: {  	_ =	shalt  }
0x53: {  	_ =	shalt  }
0x54: {  	_ =	shalt  }
0x55: {  	_ =	shalt  }
0x56: {  	_ =	shalt  }
0x57: {  	_ =	shalt  }
0x58: {  	_ =	shalt  }
0x59: {  	_ =	shalt  }
0x5a: {  	_ =	shalt  }
0x5b: {  	_ =	shalt  }
0x5c: {  	_ =	shalt  }
0x5d: {  	_ =	shalt  }
0x5e: {  	_ =	shalt  }
0x5f: {  	_ =	shalt  }
0x60: {  	_ =	shalt  }
0x61: {  	_ =	shalt  }
0x62: {  	_ =	shalt  }
0x63: {  	_ =	shalt  }
0x64: {  	_ =	shalt  }
0x65: {  	_ =	shalt  }
0x66: {  	_ =	shalt  }
0x67: {  	_ =	shalt  }
0x68: {  	_ =	shalt  }
0x69: {  	_ =	shalt  }
0x6a: {  	_ =	shalt  }
0x6b: {  	_ =	shalt  }
0x6c: {  	_ =	shalt  }
0x6d: {  	_ =	shalt  }
0x6e: {  	_ =	shalt  }
0x6f: {  	_ =	shalt  }
0x70: {  	_ =	shalt  }
0x71: {  	_ =	shalt  }
0x72: {  	_ =	shalt  }
0x73: {  	_ =	shalt  }
0x74: {  	_ =	shalt  }
0x75: {  	_ =	shalt  }
0x76: {  	_ =	shalt  }
0x77: {  	_ =	shalt  }
0x78: {  	_ =	shalt  }
0x79: {  	_ =	shalt  }
0x7a: {  	_ =	shalt  }
0x7b: {  	_ =	shalt  }
0x7c: {  	_ =	shalt  }
0x7d: {  	_ =	shalt  }
0x7e: {  	_ =	shalt  }
0x7f: {  	_ =	shalt  }
0x80: {  	_ =	shalt  }
0x81: {  	_ =	shalt  }
0x82: {  	_ =	shalt  }
0x83: {  	_ =	shalt  }
0x84: {  	_ =	shalt  }
0x85: {  	_ =	shalt  }
0x86: {  	_ =	shalt  }
0x87: {  	_ =	shalt  }
.Lfunc_end0:
.L_simem_size_0:
called_computation_lowered:
.L_overlay_start_0:
0x88: {  	s2 =	sld [smem:$0x3FD9]  }
0x89: {  	s3 =	sld [smem:$0x3FFE];
	_ =	sdelay $0x1  }
0x8a: {  	s1 =	srdreg.scid  }
0x8b: {  	s0 =	sand.u32 $0x1, s1  }
0x8c: {  	s16 =	sshll.u32 s0, $0xA;
	s2 =	sadd.s32 s3, s2  }
0x8d: {  	s2 =	sadd.s32 s2, s16  }
0x8e: {  	[smem:$0x3FC7] =	sst s2  }
0x8f: {  	_ = 	snop  }
0x90: {  	(tm) =	ssettm $0x1  }
0x91: {  	s17 =	sld [smem:$0x3FFB];
	_ =	sdelay $0x3  }
0x92: {  	_ =	strace s17  }
0x93: {  	s2 =	sld [smem:$0x3FFC];
	_ =	sdelay $0x3  }
0x94: {  	_ =	strace s2  }
0x95: {  	s2 =	sld [smem:$0x3FFD];
	_ =	sdelay $0x3  }
0x96: {  	_ =	strace s2  }
0x97: {  	_ =	strace $0x8FFFFFFF  }
0x98: {  	s18 =	sld [smem:$0x3FDB];
	_ =	sdelay $0x1  }
0x99: {  	s19 =	simm.s32 $_scs_section_size  }
0x9a: {  	s4 =	simm.s32 $_size__tile_overlayer_lowered;
	s5 =	simm.s32 $_tile_overlayer_lowered  }
0x9b: {  	s22 =	simm.s32 $0x1BFF;
	s21 =	sshll.u32 s5, $0x1;
	s2 =	sadd.s32 s19, s18  }
0x9c: {  	s6 =	simm.s32 $0x0;
	s20 =	sshll.u32 s4, $0x1;
	s4 =	sadd.s32 s21, s2  }
0x9d: {  	[timem:s6], [sflag:s22] =	dma.local [hbm:s4], s20  }
0x9e: {  	_ =	swait.ge [sflag:s22], s20  }
0x9f: {  	s3 =	ssub.s32 $0x0, s20;
	[sflag:s22] =	ssyncset.done $0x0  }
0xa0: {  	[sflag:s22] =	ssyncadd.s32 s3;
	_ =	sdelay $0x1  }
0xa1: {  	s23 =	simm.s32 $0x1B8B  }
0xa2: {  	_ =	swait.ge [sflag:s23], $0x1  }
0xa3: {  	[sflag:s23] =	ssyncset.done $0x0  }
0xa4: {  	s25 =	simm.s32 $0x1B8E;
	s24 =	sld [smem:$0x3FFE];
	[sflag:s23] =	ssyncadd.s32 $0xFFFFFFFF  }
0xa5: {  	s26 =	simm.s32 $execute0_lowered;
	[smem:$0x3FD2] =	sst s25  }
0xa6: {  	s4 =	sshll.u32 s26, $0x1;
	_ =	strace $0x80000046;
	[dreg:$0x1] =	wrdreg $0xFFFFFFFF  }
0xa7: {  	s28 =	simm.s32 $_size_execute0_lowered;
	s2 =	sadd.s32 s2, s4;
	[dreg:$0x0] =	wrdreg $0x0  }
0xa8: {  	s4 =	sshll.u32 s28, $0x1;
	[dreg:$0x2] =	wrdreg s2  }
0xa9: {  	[dreg:$0x3] =	wrdreg s4  }
0xaa: {  	[dreg:$0x4] =	wrdreg $0xC0  }
0xab: {  	_ =	task [dreg:s6], $0x5FFFF  }
0xac: {  	[dreg:$0x1] =	wrdreg $0xFFFFFFFF  }
0xad: {  	[dreg:$0x0] =	wrdreg $0x60  }
0xae: {  	[dreg:$0x2] =	wrdreg s24  }
0xaf: {  	[dreg:$0x3] =	wrdreg $0x9  }
0xb0: {  	_ =	task.clear_ibuf [dreg:s6], $0x4FFFF;
	_ =	strace $0x90000046  }
0xb1: {  	s29 =	simm.s32 $0x9;
	_ =	strace $0x80000048  }
0xb2: {  	_ =	swait.ge [sflag:s29], $0x1  }
0xb3: {  	[sflag:s29] =	ssyncadd.s32 $0xFFFFFFFF  }
0xb4: {  	_ =	strace $0x90000048  }
0xb5: {  	_ =	sfence  }
0xb6: {  	s30 =	sld [smem:$0x0];
	_ =	sdelay $0x2  }
0xb7: {  	s31 =	sshll.u32 s1, $0xD;
	s1 =	sshrl.u32 s1, $0x2  }
0xb8: {  	s3 =	sand.u32 $0x4000, s31;
	s1 =	sadd.s32 s1, s30  }
0xb9: {  	s0 =	sor.u32 s3, s0;
	s1 =	sshll.u32 s1, $0x11  }
0xba: {  	s0 =	sor.u32 s1, s0  }
0xbb: {  	s0 =	sadd.s32 $0x8F2B, s0  }
0xbc: {  	[sflag:s0] =	ssyncadd.remote.s32 $0x1  }
0xbd: {  	_ =	sfence.sel $0xFFFF  }
0xbe: {  	[dreg:$0x0] =	wrdreg $0xFFFFFFFF;
	(pc) =	sbr.abs _section_cstart, $3  }
0xbf: {  	[dreg:$0x1] =	wrdreg $0xFFFFFFFF  }
0xc0: {  	_ =	task.clear_ibuf [dreg:s6], $0x2FFFF;
	_ =	strace $0x9FFFFFFF  }
0xc1: {  	(tm) =	ssettm $0x7FFFFFFF  }
tec
execute0_lowered:
.L_overlay_start_1:
0x0: {  	(tag) =	ssettag $0x1  }
0x1: {  	v0 =	vimm.s32 $0xFEDCBA98;
	v1 =	vimm.s32 $0x76543210  }
0x2: {  	v2 =	vimm.s32 $0xBA98FEDC;
	v3 =	vimm.s32 $0x32107654;
	vm0 =	vmmov $0xff  }
0x3: {  	vm1 =	vcmask $0x2F20;
	vm2 =	vcmask $0xF00;
	vm3 =	vcmask $0x700  }
0x4: {  	v5 =	vimm.s32 $0xEFCDAB89;
	v6 =	vimm.s32 $0x67452301;
	vm4 =	vcmask $0x300  }
0x5: {  	v0 =	vunpack.c.l.s4.s8 v0;
	v1 =	vunpack.c.l.s4.s8 v1;
	v2 =	vunpack.c.l.s4.s8 v2  }
0x6: {  	v3 =	vunpack.c.l.s4.s8 v3;
	vm1 =	vmor vm2, vm1;
	vm2 =	vcmask $0x1710  }
0x7: {  	v5 =	vunpack.c.l.s4.s8 v5;
	v6 =	vunpack.c.l.s4.s8 v6;
	vm2 =	vmor vm3, vm2  }
0x8: {  	vm3 =	vcmask $0x2720;
	v0 =	vunpack.c.0.s8.s32 v0;
	v1 =	vunpack.c.0.s8.s32 v1  }
0x9: {  	v2 =	vunpack.c.0.s8.s32 v2;
	vm2 =	vmor vm2, vm3;
	vm3 =	vcmask $0x3730  }
0xa: {  	s4 =	rddreg [dreg:$0x0];
	v3 =	vunpack.c.0.s8.s32 v3;
	vm2 =	vmor vm2, vm3;
	v4 =	vand.u32 $0xF, v0  }
0xb: {  	s0 =	rddreg [dreg:$0x1];
	s1 =	simm.s32 $0x0;
	vm3 =	vcmask $0xB08;
	v1 =	vcombine.low v4, v1;
	v4 =	vimm.s32 $0xDCFE98BA  }
0xc: {  	s5 =	srdreg.scid;
	s2 =	stileid.u32;
	s11 =	simm.s32 $0x1;
	vm3 =	vmor vm4, vm3;
	vm4 =	vcmask $0x1310;
	v4 =	vunpack.c.l.s4.s8 v4  }
0xd: {  	s12 =	simm.s32 $0x10800;
	s13 =	simm.s32 $0x2;
	s14 =	simm.s32 $0x3;
	v5 =	vunpack.c.0.s8.s32 v5;
	v2 =	vcombine.low v3, v2;
	vm3 =	vmor vm3, vm4  }
0xe: {  	s15 =	simm.s32 $0x0;
	[smem:$0x7FF] =	sst s1;
	s3 =	sadd.s32 $0x400600, s4;
	vm4 =	vcmask $0x1B18;
	v3 =	vunpack.c.0.s8.s32 v4;
	v4 =	vimm.s32 $0x54761032  }
0xf: {  	s5 =	sand.u32 $0x1, s5;
	s6 =	sshll.u32 s2, $0x4;
	_ =	strace $0x80000047;
	vm3 =	vmor vm3, vm4;
	vm4 =	vcmask $0x2320;
	v4 =	vunpack.c.l.s4.s8 v4  }
0x10: {  	s7 =	ssub.s32 $0x2, s5;
	s5 =	sshll.u32 s5, $0x4;
	s6 =	sand.u32 $0x70, s6;
	v6 =	vunpack.c.0.s8.s32 v6;
	vm3 =	vmor vm3, vm4;
	vm4 =	vcmask $0x2B28  }
0x11: {  	s8 =	sshrl.u32 s7, $0x1;
	s5 =	sor.u32 s2, s5;
	s9 =	sadd.s32 s6, s4;
	vm3 =	vmor vm3, vm4;
	vm4 =	vcmask $0x3330;
	v4 =	vunpack.c.0.s8.s32 v4  }
0x12: {  	v7 =	vimm.f32 $1.000000000e+00;
	s10 =	ssub.s32 s7, s8;
	s29 =	sshll.u32 s5, $0x4;
	s30 =	sshll.u32 s5, $0x11;
	v0 =	vimm.f32 $0.0e+00;
	vm3 =	vmor vm3, vm4  }
0x13: {  	s4 =	sshll.u32 s5, $0x5;
	s31 =	sand.u32 $0x180, s29;
	s6 =	sadd.s32 s3, s30;
	vm4 =	vcmask $0x3B38;
	v3 =	vcombine.low v4, v3;
	v4 =	vcombine.low v6, v5  }
0x14: {  	s5 =	sshllo.u32 s5, $0x5;
	s8 =	sadd.s32 s31, s9;
	s7 =	sadd.s32 $0x1000, s6;
	v2 =	vand.u32 $0xF, v2;
	vm3 =	vmor vm3, vm4;
	v5 =	vlaneseq.u32  }
0x15: {  	s9 =	smax.u32 s10, $0x1;
	s10 =	simm.s32 $0x8000;
	s8 =	sadd.s32 $0x600, s8;
	v6 =	vimm.s32 $0x0;
	v3 =	vand.u32 $0xF, v3;
	v4 =	vand.u32 $0xF, v4  }
.LBB2_1:
0x16: {  	[tilespmem:$0x10800] =	vst v0  }
0x17: {  	[tilespmem:$0x10810] =	vst v0  }
0x18: {  	[tilespmem:$0x10820] =	vst v0  }
0x19: {  	[tilespmem:$0x10830] =	vst v0  }
0x1a: {  	[tilespmem:$0x10840] =	vst v0  }
0x1b: {  	[tilespmem:$0x10850] =	vst v0  }
0x1c: {  	[tilespmem:$0x10860] =	vst v0  }
0x1d: {  	[tilespmem:$0x10870] =	vst v0  }
0x1e: {  	[tilespmem:s1], [sflag:$0x1] =	stream.linear.gather [hbm4b:s6+s1], $0x8000, $0x38;
	[tilespmem:$0x10880] =	vst v63  }
0x1f: {  	s16 =	simm.s32 $0x0  }
0x20: {  	[tilespmem:s10], [sflag:$0x2] =	stream.linear.gather [hbm4b:s7+s1], $0x8000, $0x38;
	[tilespmem:$0x10880] =	vst v63  }
.LBB2_2:
0x21: {  	_ =	swait.ge [sflag:s11], $0x8000  }
0x22: {  	[sflag:s11] =	ssyncset.done $0x0  }
0x23: {  	s17 =	simm.s32 $0x0;
	v9 =	vimm.f32 $-Inf;
	v8 =	vlaneseq.u32;
	s18 =	simm.s32 $0x80;
	[sflag:s11] =	ssyncadd.s32 $0xFFFF8000  }
.LBB2_3:
0x24: {  	v10 =	vld [tilespmem:s18+$0xFFFFFF90]  }
0x25: {  	v11 =	vld [tilespmem:s18+$0xFFFFFF80]  }
0x26: {  	v12 =	vld [tilespmem:s18+$0xFFFFFFA0]  }
0x27: {  	v13 =	vld [tilespmem:s18+$0xFFFFFFB0]  }
0x28: {  	v14 =	vld [tilespmem:s18+$0xFFFFFFC0]  }
0x29: {  	v15 =	vld [tilespmem:s18+$0xFFFFFFD0]  }
0x2a: {  	v16 =	vld [tilespmem:s18+$0xFFFFFFE0]  }
0x2b: {  	v17 =	vld [tilespmem:s18+$0xFFFFFFF0]  }
0x2c: {  	v18 =	vld [tilespmem:s18+$0x0]  }
0x2d: {  	v19 =	vld [tilespmem:s18+$0x10]  }
0x2e: {  	v20 =	vld [tilespmem:s18+$0x20]  }
0x2f: {  	v21 =	vld [tilespmem:s18+$0x30]  }
0x30: {  	v22 =	vld [tilespmem:s18+$0x40]  }
0x31: {  	v23 =	vld [tilespmem:s18+$0x50]  }
0x32: {  	v24 =	vld [tilespmem:s18+$0x60]  }
0x33: {  	v25 =	vld [tilespmem:s18+$0x70];
	s20 =	simm.s32 $0x200;
	s19 =	simm.s32 $0x0;
	s21 =	smov.u32 s18  }
.LBB2_4:
0x34: {  	p0 =	sne.s32 s20, $0x1E00  }
0x35: {  	v10 =	vadd.f32 v10, v11;
	v11 =	vadd.f32 v13, v12  }
0x36: {  	v12 =	vadd.f32 v15, v14;
	v13 =	vadd.f32 v17, v16  }
0x37: {  	v14 =	vadd.f32 v19, v18;
	v15 =	vadd.f32 v21, v20  }
0x38: {  	v16 =	vadd.f32 v23, v22;
	v17 =	vadd.f32 v25, v24  }
0x39: {  	v10 =	vadd.f32 v11, v10;
	v11 =	vadd.f32 v13, v12  }
0x3a: {  	v12 =	vadd.f32 v15, v14;
	v13 =	vadd.f32 v17, v16;
	_ =	sdelay $0x1  }
0x3b: {  	v10 =	vadd.f32 v11, v10;
	v11 =	vadd.f32 v13, v12;
	_ =	sdelay $0x1  }
0x3c: {  	v10 =	vadd.f32 v11, v10  }
0x3d: {  	s22 =	sshra.s32 s19, $0x2;
	s19 =	smov.u32 s20  }
0x3e: {  	s21 =	sadd.s32 $0x100, s21;
	[tilespmem:s22+$0x10000] =	vst v10  }
0x3f: {  	v10 =	vld [tilespmem:s21+$0xFFFFFF90]  }
0x40: {  	v11 =	vld [tilespmem:s21+$0xFFFFFF80]  }
0x41: {  	v12 =	vld [tilespmem:s21+$0xFFFFFFA0]  }
0x42: {  	v13 =	vld [tilespmem:s21+$0xFFFFFFB0]  }
0x43: {  	v14 =	vld [tilespmem:s21+$0xFFFFFFC0]  }
0x44: {  	v15 =	vld [tilespmem:s21+$0xFFFFFFD0]  }
0x45: {  	v16 =	vld [tilespmem:s21+$0xFFFFFFE0]  }
0x46: {  	v17 =	vld [tilespmem:s21+$0xFFFFFFF0]  }
0x47: {  	v18 =	vld [tilespmem:s21+$0x0]  }
0x48: {  	v19 =	vld [tilespmem:s21+$0x10]  }
0x49: {  	v20 =	vld [tilespmem:s21+$0x20]  }
.Ltmp0:
0x4a: {  	v21 =	vld [tilespmem:s21+$0x30];
	(pc) =	sbr.rel @p0 .LBB2_4-.Ltmp0, $4  }
0x4b: {  	v22 =	vld [tilespmem:s21+$0x40]  }
0x4c: {  	v23 =	vld [tilespmem:s21+$0x50]  }
0x4d: {  	v24 =	vld [tilespmem:s21+$0x60]  }
0x4e: {  	s20 =	sadd.s32 $0x200, s20;
	v25 =	vld [tilespmem:s21+$0x70]  }
0x4f: {  	_ = 	snop  }
0x50: {  	v10 =	vadd.f32 v10, v11;
	v11 =	vadd.f32 v13, v12  }
0x51: {  	v63 =	vadd.f32 v15, v14;
	v26 =	vadd.f32 v17, v16  }
0x52: {  	v27 =	vadd.f32 v19, v18;
	v28 =	vadd.f32 v21, v20  }
0x53: {  	v29 =	vadd.f32 v23, v22;
	v30 =	vadd.f32 v25, v24  }
0x54: {  	v10 =	vadd.f32 v11, v10;
	v11 =	vadd.f32 v26, v63  }
0x55: {  	v31 =	vadd.f32 v28, v27;
	v32 =	vadd.f32 v30, v29;
	_ =	sdelay $0x1  }
0x56: {  	v10 =	vadd.f32 v11, v10;
	v11 =	vadd.f32 v32, v31;
	_ =	sdelay $0x1  }
0x57: {  	v10 =	vadd.f32 v11, v10  }
0x58: {  	s19 =	sshra.s32 s19, $0x2  }
0x59: {  	[tilespmem:s19+$0x10000] =	vst v10  }
0x5a: {  	v10 =	vld [tilespmem:$0x10000]  }
0x5b: {  	v11 =	vld [tilespmem:$0x10080]  }
0x5c: {  	v33 =	vld [tilespmem:$0x10100]  }
0x5d: {  	v34 =	vld [tilespmem:$0x10180]  }
0x5e: {  	v35 =	vld [tilespmem:$0x10200]  }
0x5f: {  	v36 =	vld [tilespmem:$0x10280]  }
0x60: {  	v37 =	vld [tilespmem:$0x10300]  }
0x61: {  	v38 =	vld [tilespmem:$0x10380]  }
0x62: {  	v39 =	vld [tilespmem:$0x10400]  }
0x63: {  	v40 =	vld [tilespmem:$0x10480]  }
0x64: {  	v41 =	vld [tilespmem:$0x10500];
	v42 =	vperm.xlane v10, v1;
	v44 =	vperm.xlane v11, v1  }
0x65: {  	v43 =	vld [tilespmem:$0x10580];
	v45 =	vperm.xlane v33, v1;
	v47 =	vperm.xlane v34, v1  }
0x66: {  	v46 =	vld [tilespmem:$0x10600];
	v48 =	vperm.xlane v35, v1;
	v50 =	vperm.xlane v36, v1  }
0x67: {  	v26 =	vld [tilespmem:$0x10680];
	v27 =	vperm.xlane v37, v1;
	v51 =	vperm.xlane v38, v1  }
0x68: {  	v49 =	vld [tilespmem:$0x10700];
	v29 =	vperm.xlane v39, v1;
	v52 =	vperm.xlane v40, v1;
	v10 =	vadd.f32 v42, v10  }
0x69: {  	v28 =	vld [tilespmem:$0x10780];
	v53 =	vperm.xlane v41, v1;
	v11 =	vadd.f32 v44, v11;
	v12 =	vadd.f32 v45, v33  }
0x6a: {  	v54 =	vperm.xlane v43, v1;
	v13 =	vadd.f32 v47, v34;
	v14 =	vadd.f32 v48, v35  }
0x6b: {  	v55 =	vperm.xlane v46, v1;
	v15 =	vadd.f32 v50, v36;
	v16 =	vadd.f32 v27, v37  }
0x6c: {  	v56 =	vperm.xlane v26, v1;
	v17 =	vadd.f32 v51, v38;
	v18 =	vadd.f32 v29, v39  }
0x6d: {  	v57 =	vperm.xlane v49, v1;
	v19 =	vadd.f32 v52, v40;
	v20 =	vadd.f32 v53, v41  }
0x6e: {  	v59 =	vperm.xlane v28, v1;
	v21 =	vadd.f32 v54, v43;
	v58 =	vadd.f32 v55, v46  }
0x6f: {  	v23 =	vadd.f32 v56, v26;
	v24 =	vadd.f32 v57, v49  }
0x70: {  	v25 =	vadd.f32 v59, v28;
	v10 =	vsel vm0, v10, v18;
	v11 =	vsel vm0, v11, v19  }
0x71: {  	v12 =	vsel vm0, v12, v20;
	v13 =	vsel vm0, v13, v21;
	v14 =	vsel vm0, v14, v58  }
0x72: {  	v15 =	vsel vm0, v15, v23;
	v18 =	vperm.xlane v10, v2;
	v19 =	vperm.xlane v11, v2  }
0x73: {  	v16 =	vsel vm0, v16, v24;
	v20 =	vperm.xlane v12, v2;
	v60 =	vperm.xlane v14, v2  }
0x74: {  	v17 =	vsel vm0, v17, v25;
	v61 =	vperm.xlane v15, v2;
	v62 =	vperm.xlane v16, v2  }
0x75: {  	v21 =	vperm.xlane v13, v2;
	v10 =	vadd.f32 v18, v10;
	v11 =	vadd.f32 v19, v11  }
0x76: {  	v63 =	vperm.xlane v17, v2;
	v12 =	vadd.f32 v20, v12;
	v14 =	vadd.f32 v60, v14  }
0x77: {  	v15 =	vadd.f32 v61, v15;
	v16 =	vadd.f32 v62, v16  }
0x78: {  	v13 =	vadd.f32 v21, v13;
	v17 =	vadd.f32 v63, v17  }
0x79: {  	v10 =	vsel vm1, v10, v14;
	v11 =	vsel vm1, v11, v15;
	v12 =	vsel vm1, v12, v16  }
0x7a: {  	v13 =	vsel vm1, v13, v17;
	v14 =	vperm.xlane v10, v3;
	v15 =	vperm.xlane v11, v3  }
0x7b: {  	v16 =	vperm.xlane v12, v3;
	v17 =	vperm.xlane v13, v3  }
0x7c: {  	v10 =	vadd.f32 v14, v10;
	v11 =	vadd.f32 v15, v11  }
0x7d: {  	v12 =	vadd.f32 v16, v12;
	v13 =	vadd.f32 v17, v13;
	_ =	sdelay $0x1  }
0x7e: {  	v10 =	vsel vm2, v10, v12;
	v11 =	vsel vm2, v11, v13  }
0x7f: {  	s31 =	sshll.u32 s17, $0x4;
	s17 =	sadd.s32 $0x1, s17;
	v12 =	vperm.xlane v10, v4;
	v13 =	vperm.xlane v11, v4  }
0x80: {  	p0 =	sne.s32 s17, $0x8  }
.Ltmp1:
0x81: {  	v10 =	vadd.f32 v12, v10;
	v11 =	vadd.f32 v13, v11;
	(pc) =	sbr.rel @p0 .LBB2_3-.Ltmp1, $4  }
0x82: {  	_ = 	snop  }
0x83: {  	v10 =	vsel vm3, v10, v11  }
0x84: {  	v11 =	vor.u32 s31, v5;
	vm4 =	vgt.f32 v10, v9  }
0x85: {  	s18 =	sadd.s32 $0x1000, s18;
	v9 =	vsel vm4, v10, v9;
	v8 =	vsel vm4, v11, v8  }
0x86: {  	(xrf1) =	vsort.dscd.msk.f32 $0xffff, v9, v8;
	_ =	sdelay $0xd  }
0x87: {  	v10, _, _ =	vpop (xrf1)  }
0x88: {  	v10 =	vperm.xlane v10, v6;
	_ =	sdelay $0x1  }
0x89: {  	vm4 =	veq.f32 v9, v10  }
0x8a: {  	v8 =	vnsel vm4, $0x80, v8  }
0x8b: {  	v9 =	vxor.u32 $0x80000000, v8  }
0x8c: {  	(xrf1) =	vsort.ascd.msk.u32 $0xffff, v9, v8;
	_ =	sdelay $0xd  }
0x8d: {  	v8, _, _ =	vpop (xrf1)  }
0x8e: {  	s17 =	sshll.u32 s16, $0x1;
	v8 =	vxor.u32 $0x80000000, v8  }
0x8f: {  	s17 =	sadd.s32 s4, s17  }
0x90: {  	s18 =	sadd.s32 $0x2, s17  }
0x91: {  	s18 =	smin.u32 s18, s5  }
0x92: {  	s18 =	sshll.u32 s18, $0xC  }
0x93: {  	s19 =	sadd.s32 s3, s18;
	s18 =	simm.s32 $0x0;
	[tilespmem:v8+s12+$0x0] =	vst.idx.add.f32.msk $0x1, v7  }
0x94: {  	[tilespmem:s18], [sflag:$0x1] =	stream.linear.gather [hbm4b:s19+s18], $0x8000, $0x38;
	[tilespmem:$0x10880] =	vst v63  }
0x95: {  	_ =	swait.ge [sflag:s13], $0x8000  }
0x96: {  	[sflag:s13] =	ssyncset.done $0x0  }
0x97: {  	v9 =	vimm.f32 $-Inf;
	v8 =	vlaneseq.u32;
	s19 =	simm.s32 $0x8080;
	[sflag:s13] =	ssyncadd.s32 $0xFFFF8000  }
.LBB2_7:
0x98: {  	v10 =	vld [tilespmem:s19+$0xFFFFFF90]  }
0x99: {  	v11 =	vld [tilespmem:s19+$0xFFFFFF80]  }
0x9a: {  	v12 =	vld [tilespmem:s19+$0xFFFFFFA0]  }
0x9b: {  	v13 =	vld [tilespmem:s19+$0xFFFFFFB0]  }
0x9c: {  	v14 =	vld [tilespmem:s19+$0xFFFFFFC0]  }
0x9d: {  	v15 =	vld [tilespmem:s19+$0xFFFFFFD0]  }
0x9e: {  	v16 =	vld [tilespmem:s19+$0xFFFFFFE0]  }
0x9f: {  	v17 =	vld [tilespmem:s19+$0xFFFFFFF0]  }
0xa0: {  	v18 =	vld [tilespmem:s19+$0x0]  }
0xa1: {  	v19 =	vld [tilespmem:s19+$0x10]  }
0xa2: {  	v20 =	vld [tilespmem:s19+$0x20]  }
0xa3: {  	v21 =	vld [tilespmem:s19+$0x30]  }
0xa4: {  	v22 =	vld [tilespmem:s19+$0x40]  }
0xa5: {  	v23 =	vld [tilespmem:s19+$0x50]  }
0xa6: {  	v24 =	vld [tilespmem:s19+$0x60]  }
0xa7: {  	v25 =	vld [tilespmem:s19+$0x70];
	s21 =	simm.s32 $0x200;
	s20 =	simm.s32 $0x0;
	s22 =	smov.u32 s19  }
.LBB2_8:
0xa8: {  	p0 =	sne.s32 s21, $0x1E00  }
0xa9: {  	v10 =	vadd.f32 v10, v11;
	v11 =	vadd.f32 v13, v12  }
0xaa: {  	v12 =	vadd.f32 v15, v14;
	v13 =	vadd.f32 v17, v16  }
0xab: {  	v14 =	vadd.f32 v19, v18;
	v15 =	vadd.f32 v21, v20  }
0xac: {  	v16 =	vadd.f32 v23, v22;
	v17 =	vadd.f32 v25, v24  }
0xad: {  	v10 =	vadd.f32 v11, v10;
	v11 =	vadd.f32 v13, v12  }
0xae: {  	v12 =	vadd.f32 v15, v14;
	v13 =	vadd.f32 v17, v16;
	_ =	sdelay $0x1  }
0xaf: {  	v10 =	vadd.f32 v11, v10;
	v11 =	vadd.f32 v13, v12;
	_ =	sdelay $0x1  }
0xb0: {  	v10 =	vadd.f32 v11, v10  }
0xb1: {  	s23 =	sshra.s32 s20, $0x2;
	s20 =	smov.u32 s21  }
0xb2: {  	s22 =	sadd.s32 $0x100, s22;
	[tilespmem:s23+$0x10000] =	vst v10  }
0xb3: {  	v10 =	vld [tilespmem:s22+$0xFFFFFF90]  }
0xb4: {  	v11 =	vld [tilespmem:s22+$0xFFFFFF80]  }
0xb5: {  	v12 =	vld [tilespmem:s22+$0xFFFFFFA0]  }
0xb6: {  	v13 =	vld [tilespmem:s22+$0xFFFFFFB0]  }
0xb7: {  	v14 =	vld [tilespmem:s22+$0xFFFFFFC0]  }
0xb8: {  	v15 =	vld [tilespmem:s22+$0xFFFFFFD0]  }
0xb9: {  	v16 =	vld [tilespmem:s22+$0xFFFFFFE0]  }
0xba: {  	v17 =	vld [tilespmem:s22+$0xFFFFFFF0]  }
0xbb: {  	v18 =	vld [tilespmem:s22+$0x0]  }
0xbc: {  	v19 =	vld [tilespmem:s22+$0x10]  }
0xbd: {  	v20 =	vld [tilespmem:s22+$0x20]  }
.Ltmp2:
0xbe: {  	v21 =	vld [tilespmem:s22+$0x30];
	(pc) =	sbr.rel @p0 .LBB2_8-.Ltmp2, $4  }
0xbf: {  	v22 =	vld [tilespmem:s22+$0x40]  }
0xc0: {  	v23 =	vld [tilespmem:s22+$0x50]  }
0xc1: {  	v24 =	vld [tilespmem:s22+$0x60]  }
0xc2: {  	s21 =	sadd.s32 $0x200, s21;
	v25 =	vld [tilespmem:s22+$0x70]  }
0xc3: {  	_ = 	snop  }
0xc4: {  	v10 =	vadd.f32 v10, v11;
	v11 =	vadd.f32 v13, v12  }
0xc5: {  	v63 =	vadd.f32 v15, v14;
	v26 =	vadd.f32 v17, v16  }
0xc6: {  	v27 =	vadd.f32 v19, v18;
	v28 =	vadd.f32 v21, v20  }
0xc7: {  	v29 =	vadd.f32 v23, v22;
	v30 =	vadd.f32 v25, v24  }
0xc8: {  	v10 =	vadd.f32 v11, v10;
	v11 =	vadd.f32 v26, v63  }
0xc9: {  	v31 =	vadd.f32 v28, v27;
	v32 =	vadd.f32 v30, v29;
	_ =	sdelay $0x1  }
0xca: {  	v10 =	vadd.f32 v11, v10;
	v11 =	vadd.f32 v32, v31;
	_ =	sdelay $0x1  }
0xcb: {  	v10 =	vadd.f32 v11, v10  }
0xcc: {  	s20 =	sshra.s32 s20, $0x2  }
0xcd: {  	[tilespmem:s20+$0x10000] =	vst v10  }
0xce: {  	v10 =	vld [tilespmem:$0x10000]  }
0xcf: {  	v11 =	vld [tilespmem:$0x10080]  }
0xd0: {  	v33 =	vld [tilespmem:$0x10100]  }
0xd1: {  	v34 =	vld [tilespmem:$0x10180]  }
0xd2: {  	v35 =	vld [tilespmem:$0x10200]  }
0xd3: {  	v36 =	vld [tilespmem:$0x10280]  }
0xd4: {  	v37 =	vld [tilespmem:$0x10300]  }
0xd5: {  	v38 =	vld [tilespmem:$0x10380]  }
0xd6: {  	v39 =	vld [tilespmem:$0x10400]  }
0xd7: {  	v40 =	vld [tilespmem:$0x10480]  }
0xd8: {  	v41 =	vld [tilespmem:$0x10500];
	v42 =	vperm.xlane v10, v1;
	v44 =	vperm.xlane v11, v1  }
0xd9: {  	v43 =	vld [tilespmem:$0x10580];
	v45 =	vperm.xlane v33, v1;
	v47 =	vperm.xlane v34, v1  }
0xda: {  	v46 =	vld [tilespmem:$0x10600];
	v48 =	vperm.xlane v35, v1;
	v50 =	vperm.xlane v36, v1  }
0xdb: {  	v26 =	vld [tilespmem:$0x10680];
	v27 =	vperm.xlane v37, v1;
	v51 =	vperm.xlane v38, v1  }
0xdc: {  	v49 =	vld [tilespmem:$0x10700];
	v29 =	vperm.xlane v39, v1;
	v52 =	vperm.xlane v40, v1;
	v10 =	vadd.f32 v42, v10  }
0xdd: {  	v28 =	vld [tilespmem:$0x10780];
	v53 =	vperm.xlane v41, v1;
	v11 =	vadd.f32 v44, v11;
	v12 =	vadd.f32 v45, v33  }
0xde: {  	v54 =	vperm.xlane v43, v1;
	v13 =	vadd.f32 v47, v34;
	v14 =	vadd.f32 v48, v35  }
0xdf: {  	v55 =	vperm.xlane v46, v1;
	v15 =	vadd.f32 v50, v36;
	v16 =	vadd.f32 v27, v37  }
0xe0: {  	v56 =	vperm.xlane v26, v1;
	v17 =	vadd.f32 v51, v38;
	v18 =	vadd.f32 v29, v39  }
0xe1: {  	v57 =	vperm.xlane v49, v1;
	v19 =	vadd.f32 v52, v40;
	v20 =	vadd.f32 v53, v41  }
0xe2: {  	v59 =	vperm.xlane v28, v1;
	v21 =	vadd.f32 v54, v43;
	v58 =	vadd.f32 v55, v46  }
0xe3: {  	v23 =	vadd.f32 v56, v26;
	v24 =	vadd.f32 v57, v49  }
0xe4: {  	v25 =	vadd.f32 v59, v28;
	v10 =	vsel vm0, v10, v18;
	v11 =	vsel vm0, v11, v19  }
0xe5: {  	v12 =	vsel vm0, v12, v20;
	v13 =	vsel vm0, v13, v21;
	v14 =	vsel vm0, v14, v58  }
0xe6: {  	v15 =	vsel vm0, v15, v23;
	v18 =	vperm.xlane v10, v2;
	v19 =	vperm.xlane v11, v2  }
0xe7: {  	v16 =	vsel vm0, v16, v24;
	v20 =	vperm.xlane v12, v2;
	v60 =	vperm.xlane v14, v2  }
0xe8: {  	v17 =	vsel vm0, v17, v25;
	v61 =	vperm.xlane v15, v2;
	v62 =	vperm.xlane v16, v2  }
0xe9: {  	v21 =	vperm.xlane v13, v2;
	v10 =	vadd.f32 v18, v10;
	v11 =	vadd.f32 v19, v11  }
0xea: {  	v63 =	vperm.xlane v17, v2;
	v12 =	vadd.f32 v20, v12;
	v14 =	vadd.f32 v60, v14  }
0xeb: {  	v15 =	vadd.f32 v61, v15;
	v16 =	vadd.f32 v62, v16  }
0xec: {  	v13 =	vadd.f32 v21, v13;
	v17 =	vadd.f32 v63, v17  }
0xed: {  	v10 =	vsel vm1, v10, v14;
	v11 =	vsel vm1, v11, v15;
	v12 =	vsel vm1, v12, v16  }
0xee: {  	v13 =	vsel vm1, v13, v17;
	v14 =	vperm.xlane v10, v3;
	v15 =	vperm.xlane v11, v3  }
0xef: {  	v16 =	vperm.xlane v12, v3;
	v17 =	vperm.xlane v13, v3  }
0xf0: {  	v10 =	vadd.f32 v14, v10;
	v11 =	vadd.f32 v15, v11  }
0xf1: {  	v12 =	vadd.f32 v16, v12;
	v13 =	vadd.f32 v17, v13;
	_ =	sdelay $0x1  }
0xf2: {  	v10 =	vsel vm2, v10, v12;
	v11 =	vsel vm2, v11, v13  }
0xf3: {  	s31 =	sshll.u32 s18, $0x4;
	s18 =	sadd.s32 $0x1, s18;
	v12 =	vperm.xlane v10, v4;
	v13 =	vperm.xlane v11, v4  }
0xf4: {  	p0 =	sne.s32 s18, $0x8  }
.Ltmp3:
0xf5: {  	v10 =	vadd.f32 v12, v10;
	v11 =	vadd.f32 v13, v11;
	(pc) =	sbr.rel @p0 .LBB2_7-.Ltmp3, $4  }
0xf6: {  	_ = 	snop  }
0xf7: {  	v10 =	vsel vm3, v10, v11  }
0xf8: {  	v11 =	vor.u32 s31, v5;
	vm4 =	vgt.f32 v10, v9  }
0xf9: {  	s19 =	sadd.s32 $0x1000, s19;
	v9 =	vsel vm4, v10, v9;
	v8 =	vsel vm4, v11, v8  }
0xfa: {  	(xrf1) =	vsort.dscd.msk.f32 $0xffff, v9, v8;
	_ =	sdelay $0xd  }
0xfb: {  	v10, _, _ =	vpop (xrf1)  }
0xfc: {  	v10 =	vperm.xlane v10, v6;
	_ =	sdelay $0x1  }
0xfd: {  	vm4 =	veq.f32 v9, v10  }
0xfe: {  	v8 =	vnsel vm4, $0x80, v8  }
0xff: {  	v63 =	vxor.u32 $0x80000000, v8  }
0x100: {  	(xrf1) =	vsort.ascd.msk.u32 $0xffff, v63, v8;
	_ =	sdelay $0xd  }
0x101: {  	v8, _, _ =	vpop (xrf1)  }
0x102: {  	s16 =	sadd.s32 $0x1, s16;
	v8 =	vxor.u32 $0x80000000, v8  }
0x103: {  	p0 =	sne.s32 s16, $0x10  }
.Ltmp4:
0x104: {  	s17 =	sadd.s32 $0x3, s17;
	(pc) =	sbr.rel @p0 .LBB2_2-.Ltmp4, $4  }
0x105: {  	s17 =	smin.u32 s17, s5  }
0x106: {  	s17 =	sshll.u32 s17, $0xC  }
0x107: {  	s17 =	sadd.s32 s3, s17;
	[tilespmem:v8+s12+$0x0] =	vst.idx.add.f32.msk $0x1, v7  }
0x108: {  	[tilespmem:s10], [sflag:$0x2] =	stream.linear.gather [hbm4b:s17+s1], $0x8000, $0x38;
	[tilespmem:$0x10880] =	vst v63  }
0x109: {  	_ =	swait.ge [sflag:s11], $0x8000  }
0x10a: {  	[sflag:s11] =	ssyncset.done $0x0  }
0x10b: {  	[sflag:s11] =	ssyncadd.s32 $0xFFFF8000  }
0x10c: {  	s15 =	sadd.s32 $0x1, s15;
	_ =	swait.ge [sflag:s13], $0x8000  }
0x10d: {  	p0 =	sne.s32 s15, s9;
	[sflag:s13] =	ssyncset.done $0x0  }
.Ltmp5:
0x10e: {  	[sflag:s13] =	ssyncadd.s32 $0xFFFF8000;
	(pc) =	sbr.rel @p0 .LBB2_1-.Ltmp5, $4  }
0x10f: {  	[hbm4b:s8+s1] =	stream.linear.scatter [tilespmem:s12], [sflag:$0x3], $0x80, $0x38;
	[tilespmem:$0x10880] =	vst v63  }
0x110: {  	_ =	swait.ge [sflag:s14], $0x80  }
0x111: {  	[sflag:s14] =	ssyncset.done $0x0  }
0x112: {  	[sflag:s14] =	ssyncadd.s32 $0xFFFFFF80  }
0x113: {  	_ =	sfence.sel $0x180000  }
0x114: {  	[bflag:$0x0] =	sbarrier.arrive $0xFFFF  }
0x115: {  	p0 =	sne.s32 s2, $0x0;
	_ =	strace $0x90000047  }
0x116: {  	s0 =	sadd.s32 @!p0 $0x100000, s0;
	[bflag:$0x2] =	sbarrier.arrive $0xFFFF  }
0x117: {  	[sflag:s0] =	ssyncadd.tile.s32 @!p0 $0x1;
	_ =	shalt  }
.Lfunc_end2:
_tile_overlayer_lowered:
.L_overlay_start_2:
0x118: {  	(tag) =	ssettag $0x2  }
0x119: {  	s0 =	rddreg [dreg:$0x0];
	s2 =	stileid.u32  }
0x11a: {  	s1 =	rddreg [dreg:$0x1];
	p0 =	sne.s32 s2, $0x0  }
0x11b: {  	s3 =	rddreg [dreg:$0x2];
	[bflag:$0x3] =	sbarrier.arrive $0xFFFF;
	s2 =	simm.s32 @!p0 $0x1C03  }
0x11c: {  	[timem:s3], [sflag:s2] =	dma.local @!p0 [hbm:s0], s1  }
0x11d: {  	s0 =	simm.s32 @!p0 $0x3  }
0x11e: {  	_ =	swait.ge @!p0 [sflag:s0], s1  }
0x11f: {  	s1 =	ssub.s32 @!p0 $0x0, s1;
	[sflag:s0] =	ssyncset.done @!p0 $0x0  }
0x120: {  	[sflag:s0] =	ssyncadd.s32 @!p0 s1  }
0x121: {  	[bflag:$0x3] =	sbarrier.arrive $0xFFFF  }
0x122: {  	_ =	shalt  }

</sc_bundles>
